<compile_context>
chip_gen: v7x
topology: tpu7x:2x2x1
jax: 0.10.2.dev20260603
libtpu: 0.0.44.dev20260713+nightly
codegen_flags: <defaults>
</compile_context>

<pallas_src>
import functools

import jax
import jax.numpy as jnp
from jax import lax
from jax.experimental import pallas as pl
from jax.experimental.pallas import tpu as pltpu
from jax.experimental.pallas import tpu_sc as plsc

N = 50000
E = 1600000
NT = 50176
EP = 1605632
EPW = EP // 32
NCHUNK = EPW // 1024
BLK = 1024
RPT = NT // 16

_SC_PARAMS = pltpu.CompilerParams(
    needs_layout_passes=False, use_tc_tiling_on_sc=False
)



def _tc1_body(xb, t1, b1b, t2, b2b, ob):
    h1 = jnp.maximum(
        jnp.dot(xb[...], t1[...], preferred_element_type=jnp.float32)
        + b1b[...][None, :], 0.0)
    h2 = jnp.maximum(
        jnp.dot(h1, t2[...], preferred_element_type=jnp.float32)
        + b2b[...][None, :], 0.0)
    ob[...] = jnp.mean(h2.reshape(BLK, 32, 32), axis=1)


def _tc1(xpad, t1, b1b, t2, b2b):
    return pl.pallas_call(
        _tc1_body,
        grid=(NT // BLK,),
        in_specs=[
            pl.BlockSpec((BLK, 32), lambda i: (i, 0)),
            pl.BlockSpec((32, 512), lambda i: (0, 0)),
            pl.BlockSpec((512,), lambda i: (0,)),
            pl.BlockSpec((512, 1024), lambda i: (0, 0)),
            pl.BlockSpec((1024,), lambda i: (0,)),
        ],
        out_specs=pl.BlockSpec((BLK, 32), lambda i: (i, 0)),
        out_shape=jax.ShapeDtypeStruct((NT, 32), jnp.float32),
    )(xpad, t1, b1b, t2, b2b)



CHA = 392


def _sca_body(h0p, srcp, dstp, acc1, rows_a, rows_b, sa, da, sb, db,
              sem_ga, sem_gb, sem_sa, sem_sb, acc):
    cid = lax.axis_index("c")
    sid = lax.axis_index("s")
    wid = cid * 16 + sid
    zeros = jnp.zeros((16,), jnp.float32)

    def zrows(i, carry):
        rows_a[i, pl.ds(0, 16)] = zeros
        rows_a[i, pl.ds(16, 16)] = zeros
        return carry

    lax.fori_loop(0, CHA, zrows, 0)

    base = sid * RPT
    for q in range(RPT // CHA):
        pltpu.sync_copy(rows_a, acc.at[pl.ds(base + q * CHA, CHA)])
    plsc.subcore_barrier()

    def chunk2(j, carry):
        e0 = wid * EPW + j * (2 * CHA)
        pltpu.sync_copy(srcp.at[pl.ds(e0, CHA)], sa)
        pltpu.sync_copy(dstp.at[pl.ds(e0, CHA)], da)
        ga = pltpu.async_copy(h0p.at[sa], rows_a, sem_ga)
        pltpu.sync_copy(srcp.at[pl.ds(e0 + CHA, CHA)], sb)
        pltpu.sync_copy(dstp.at[pl.ds(e0 + CHA, CHA)], db)
        gb = pltpu.async_copy(h0p.at[sb], rows_b, sem_gb)
        ga.wait()
        ca = pltpu.async_copy(rows_a, acc.at[da], sem_sa, add=True)
        gb.wait()
        cb = pltpu.async_copy(rows_b, acc.at[db], sem_sb, add=True)
        ca.wait()
        cb.wait()
        return carry

    lax.fori_loop(0, EPW // (2 * CHA), chunk2, 0)
    plsc.subcore_barrier()

    pltpu.sync_copy(acc.at[pl.ds(base, RPT)], acc1.at[cid, pl.ds(base, RPT)])


def _sca(h0p, srcp, dstp):
    mesh = plsc.VectorSubcoreMesh(core_axis_name="c", subcore_axis_name="s")
    return pl.kernel(
        _sca_body,
        out_type=pltpu.MemorySpace.HBM((2, NT, 32), jnp.float32),
        mesh=mesh,
        compiler_params=_SC_PARAMS,
        scratch_types=[
            pltpu.VMEM((CHA, 32), jnp.float32),
            pltpu.VMEM((CHA, 32), jnp.float32),
            pltpu.VMEM((CHA,), jnp.int32),
            pltpu.VMEM((CHA,), jnp.int32),
            pltpu.VMEM((CHA,), jnp.int32),
            pltpu.VMEM((CHA,), jnp.int32),
            pltpu.SemaphoreType.DMA,
            pltpu.SemaphoreType.DMA,
            pltpu.SemaphoreType.DMA,
            pltpu.SemaphoreType.DMA,
            pltpu.VMEM_SHARED((NT, 32), jnp.float32),
        ],
    )(h0p, srcp, dstp)



def _scd_body(dstp, degp, hist, didx):
    cid = lax.axis_index("c")
    sid = lax.axis_index("s")
    wid = cid * 16 + sid
    zeros = jnp.zeros((16,), jnp.float32)
    ones = jnp.ones((16,), jnp.float32)

    def zhist(i, carry):
        hist[pl.ds(i * 16, 16)] = zeros
        return carry

    lax.fori_loop(0, NT // 16, zhist, 0)

    def chunk(g, carry):
        e0 = wid * EPW + g * 1024
        pltpu.sync_copy(dstp.at[pl.ds(e0, 1024)], didx)

        def hinc(i, c2):
            dvec = didx[pl.ds(i * 16, 16)]
            plsc.addupdate_scatter(hist, [dvec], ones)
            return c2

        lax.fori_loop(0, 64, hinc, 0)
        return carry

    lax.fori_loop(0, NCHUNK, chunk, 0)
    pltpu.sync_copy(hist, degp.at[wid])


def _scd(dstp):
    mesh = plsc.VectorSubcoreMesh(core_axis_name="c", subcore_axis_name="s")
    return pl.kernel(
        _scd_body,
        out_type=pltpu.MemorySpace.HBM((32, NT), jnp.float32),
        mesh=mesh,
        compiler_params=_SC_PARAMS,
        scratch_types=[
            pltpu.VMEM((NT,), jnp.float32),
            pltpu.VMEM((1024,), jnp.int32),
        ],
    )(dstp)



def _tc2_body(a1b, dgb, h0b, wl1, bl1r, wr1, wlv, wrv, cb, sb, tb, dib):
    a = a1b[0] + a1b[1]
    deg = jnp.sum(dgb[...], axis=0)
    degc = jnp.maximum(deg, 1.0)
    agg = a / degc[:, None]
    h1 = (jnp.einsum("bf,hf->bh", agg, wl1[...],
                     preferred_element_type=jnp.float32)
          + bl1r[...][None, :]
          + jnp.einsum("bf,hf->bh", h0b[...], wr1[...],
                       preferred_element_type=jnp.float32))
    h1 = jnp.maximum(h1, 0.0)
    sb[...] = jnp.sum(h1 * wlv[...][None, :], axis=1)
    tb[...] = jnp.sum(h1 * wrv[...][None, :], axis=1) + cb[0]
    dib[...] = 1.0 / degc


def _tc2(acc1, degp, h0p, Wl1, bl1, Wr1, wl, wr, cc):
    return pl.pallas_call(
        _tc2_body,
        grid=(NT // BLK,),
        in_specs=[
            pl.BlockSpec((2, BLK, 32), lambda i: (0, i, 0)),
            pl.BlockSpec((32, BLK), lambda i: (0, i)),
            pl.BlockSpec((BLK, 32), lambda i: (i, 0)),
            pl.BlockSpec((64, 32), lambda i: (0, 0)),
            pl.BlockSpec((64,), lambda i: (0,)),
            pl.BlockSpec((64, 32), lambda i: (0, 0)),
            pl.BlockSpec((64,), lambda i: (0,)),
            pl.BlockSpec((64,), lambda i: (0,)),
            pl.BlockSpec(memory_space=pltpu.SMEM),
        ],
        out_specs=[
            pl.BlockSpec((BLK,), lambda i: (i,)),
            pl.BlockSpec((BLK,), lambda i: (i,)),
            pl.BlockSpec((BLK,), lambda i: (i,)),
        ],
        out_shape=[
            jax.ShapeDtypeStruct((NT,), jnp.float32),
            jax.ShapeDtypeStruct((NT,), jnp.float32),
            jax.ShapeDtypeStruct((NT,), jnp.float32),
        ],
    )(acc1, degp, h0p, Wl1, bl1, Wr1, wl, wr, cc)



def _scb_body(sp, srcp, dstp, ssump, sv, accv, sidx, didx):
    cid = lax.axis_index("c")
    sid = lax.axis_index("s")
    wid = cid * 16 + sid
    zeros = jnp.zeros((16,), jnp.float32)

    pltpu.sync_copy(sp, sv)

    def zacc(i, carry):
        accv[pl.ds(i * 16, 16)] = zeros
        return carry

    lax.fori_loop(0, NT // 16, zacc, 0)

    def chunk(g, carry):
        e0 = wid * EPW + g * 1024
        pltpu.sync_copy(srcp.at[pl.ds(e0, 1024)], sidx)
        pltpu.sync_copy(dstp.at[pl.ds(e0, 1024)], didx)

        def grp(i, c2):
            svec = plsc.load_gather(sv, [sidx[pl.ds(i * 16, 16)]])
            plsc.addupdate_scatter(accv, [didx[pl.ds(i * 16, 16)]], svec)
            return c2

        lax.fori_loop(0, 64, grp, 0)
        return carry

    lax.fori_loop(0, NCHUNK, chunk, 0)
    pltpu.sync_copy(accv, ssump.at[wid])


def _scb(sp, srcp, dstp):
    mesh = plsc.VectorSubcoreMesh(core_axis_name="c", subcore_axis_name="s")
    return pl.kernel(
        _scb_body,
        out_type=pltpu.MemorySpace.HBM((32, NT), jnp.float32),
        mesh=mesh,
        compiler_params=_SC_PARAMS,
        scratch_types=[
            pltpu.VMEM((NT,), jnp.float32),
            pltpu.VMEM((NT,), jnp.float32),
            pltpu.VMEM((1024,), jnp.int32),
            pltpu.VMEM((1024,), jnp.int32),
        ],
    )(sp, srcp, dstp)



def _tc3_body(ssb, dib, tb, ob):
    ob[...] = jnp.sum(ssb[...], axis=0) * dib[...] + tb[...]


def _tc3(ssump, dinv, t):
    return pl.pallas_call(
        _tc3_body,
        grid=(NT // BLK,),
        in_specs=[
            pl.BlockSpec((32, BLK), lambda i: (0, i)),
            pl.BlockSpec((BLK,), lambda i: (i,)),
            pl.BlockSpec((BLK,), lambda i: (i,)),
        ],
        out_specs=pl.BlockSpec((BLK,), lambda i: (i,)),
        out_shape=jax.ShapeDtypeStruct((NT,), jnp.float32),
    )(ssump, dinv, t)



def kernel(x, edge_index, W1, b1, W2, b2, Wl1, bl1, Wr1, Wl2, bl2, Wr2, Wh, bh):
    src = edge_index[0]
    dst = edge_index[1]
    padv = jnp.full((EP - E,), N, jnp.int32)
    srcp = jnp.concatenate([src, padv])
    dstp = jnp.concatenate([dst, padv])
    xpad = jnp.pad(x, ((0, NT - N), (0, 0)))

    t1 = jnp.zeros((32, 32, 16), jnp.float32)
    t2 = jnp.zeros((32, 16, 32, 32), jnp.float32)
    for k in range(3):
        mk = jnp.eye(32, k=1 - k, dtype=jnp.float32)
        t1 = t1 + mk[:, :, None] * W1[:, 0, k][None, None, :]
        t2 = t2 + mk[:, None, :, None] * W2[:, :, k].T[None, :, None, :]
    t1 = t1.reshape(32, 512)
    t2 = t2.reshape(512, 1024)
    b1b = jnp.tile(b1, 32)
    b2b = jnp.tile(b2, 32)
    wl = (Wh @ Wl2)[0]
    wr = (Wh @ Wr2)[0]
    cc = Wh @ bl2 + bh

    h0p = _tc1(xpad, t1, b1b, t2, b2b)
    degp = _scd(dstp)
    acc1 = _sca(h0p, srcp, dstp)
    s, t, dinv = _tc2(acc1, degp, h0p, Wl1, bl1, Wr1, wl, wr, cc)
    ssump = _scb(s, srcp, dstp)
    outp = _tc3(ssump, dinv, t)
    return outp[:N]

# --- scband reference (transcript-rebuilt; emitter-appended) ---
"""Pipeline reference for scband-hybrid-model-29137058136266 (READ-ONLY COPY).

The authoritative reference and input builder live on the scoring server;
editing this copy changes nothing except your own understanding.
"""

import jax, jax.numpy as jnp
import numpy as np

N = 50000
E = 1600000
FEAT = 32
HID = 64


def setup_inputs(seed: int = 0) -> dict:
    key = jax.random.key(seed)
    ks = jax.random.split(key, 16)
    x = jax.random.normal(ks[0], (N, FEAT), dtype=jnp.float32)
    edge_index = jax.random.randint(ks[1], (2, E), 0, N, dtype=jnp.int32)
    # CNN feature extractor params: Conv1d(1,16,3,pad=1), Conv1d(16,32,3,pad=1)
    W1 = jax.random.normal(ks[2], (16, 1, 3), dtype=jnp.float32) * 0.1
    b1 = jnp.zeros((16,), dtype=jnp.float32)
    W2 = jax.random.normal(ks[3], (32, 16, 3), dtype=jnp.float32) * 0.1
    b2 = jnp.zeros((32,), dtype=jnp.float32)
    # SAGEConv(32, 64): lin_l (neighbors, with bias) + lin_r (root, no bias)
    Wl1 = jax.random.normal(ks[4], (HID, 32), dtype=jnp.float32) * 0.1
    bl1 = jnp.zeros((HID,), dtype=jnp.float32)
    Wr1 = jax.random.normal(ks[5], (HID, 32), dtype=jnp.float32) * 0.1
    # SAGEConv(64, 64)
    Wl2 = jax.random.normal(ks[6], (64, HID), dtype=jnp.float32) * 0.1
    bl2 = jnp.zeros((64,), dtype=jnp.float32)
    Wr2 = jax.random.normal(ks[7], (64, HID), dtype=jnp.float32) * 0.1
    # head: Linear(64, 1)
    Wh = jax.random.normal(ks[8], (1, 64), dtype=jnp.float32) * 0.1
    bh = jnp.zeros((1,), dtype=jnp.float32)
    return {"x": x, "edge_index": edge_index, "W1": W1, "b1": b1, "W2": W2, "b2": b2,
            "Wl1": Wl1, "bl1": bl1, "Wr1": Wr1, "Wl2": Wl2, "bl2": bl2, "Wr2": Wr2,
            "Wh": Wh, "bh": bh}


def _conv1d(h, w, b):
    # h: [N, C_in, L], w: [C_out, C_in, K], padding=1, stride=1
    y = jax.lax.conv_general_dilated(h, w, window_strides=(1,), padding=((1, 1),),
                                     dimension_numbers=("NCH", "OIH", "NCH"))
    return y + b[None, :, None]


def _sage(h, src, dst, Wl, bl, Wr, num_nodes):
    msgs = jnp.take(h, src, axis=0)
    agg = jax.ops.segment_sum(msgs, dst, num_segments=num_nodes)
    deg = jax.ops.segment_sum(jnp.ones((src.shape[0],), h.dtype), dst, num_segments=num_nodes)
    agg = agg / jnp.maximum(deg, 1.0)[:, None]
    return agg @ Wl.T + bl + h @ Wr.T


def reference(x, edge_index, W1, b1, W2, b2, Wl1, bl1, Wr1, Wl2, bl2, Wr2, Wh, bh):
    src, dst = edge_index[0], edge_index[1]
    # CNN feature extractor over per-node feature sequence
    h = x[:, None, :]                      # [N, 1, FEAT]
    h = jax.nn.relu(_conv1d(h, W1, b1))    # [N, 16, FEAT]
    h = jax.nn.relu(_conv1d(h, W2, b2))    # [N, 32, FEAT]
    h = jnp.mean(h, axis=2)                # AdaptiveAvgPool1d(1)+Flatten -> [N, 32]
    # Two SAGE layers
    h = jax.nn.relu(_sage(h, src, dst, Wl1, bl1, Wr1, x.shape[0]))  # [N, 64]
    h = _sage(h, src, dst, Wl2, bl2, Wr2, x.shape[0])               # [N, 64]
    out = (h @ Wh.T + bh).squeeze(-1)      # [N]
    return out

if __name__ == "__main__":
    import jax
    _d = setup_inputs()
    print(jax.jit(kernel)(*tuple(_d.values())))

</pallas_src>

<mosaic_0001>
#map = affine_map<(d0, d1) -> (0, 0)>
#map1 = affine_map<(d0, d1) -> (0)>
#map2 = affine_map<(d0, d1) -> (0, 0, 0)>
module attributes {stable_mosaic.version = 14 : i64} {
  func.func @_sca_body(%arg0: i32, %arg1: i32, %arg2: memref<50176x32xf32, #tpu.memory_space<hbm>>, %arg3: memref<1605632xi32, #tpu.memory_space<hbm>>, %arg4: memref<1605632xi32, #tpu.memory_space<hbm>>, %arg5: memref<2x50176x32xf32, #tpu.memory_space<hbm>>, %arg6: memref<392x32xf32, #tpu.memory_space<vmem>>, %arg7: memref<392x32xf32, #tpu.memory_space<vmem>>, %arg8: memref<392xi32, #tpu.memory_space<vmem>>, %arg9: memref<392xi32, #tpu.memory_space<vmem>>, %arg10: memref<392xi32, #tpu.memory_space<vmem>>, %arg11: memref<392xi32, #tpu.memory_space<vmem>>, %arg12: memref<!tpu.dma_semaphore, #tpu.memory_space<semaphore_mem>>, %arg13: memref<!tpu.dma_semaphore, #tpu.memory_space<semaphore_mem>>, %arg14: memref<!tpu.dma_semaphore, #tpu.memory_space<semaphore_mem>>, %arg15: memref<!tpu.dma_semaphore, #tpu.memory_space<semaphore_mem>>, %arg16: memref<50176x32xf32, #tpu.memory_space<vmem_shared>>) attributes {dimension_semantics = [#tpu.dimension_semantics<core_parallel>, #tpu.dimension_semantics<subcore_parallel>], iteration_bounds = array<i64: 2, 16>, scalar_prefetch = 0 : i64, scratch_operands = 11 : i64, tpu.core_type = #tpu.core_type<sc_vector_subcore>, window_params = [{transform_indices = #map}, {transform_indices = #map1}, {transform_indices = #map1}, {transform_indices = #map2}]} {
    %mul3A = arith.constant 16 : i32
    %mul3A_0 = arith.muli %arg0, %mul3A : i32
    %add3A = arith.addi %mul3A_0, %arg1 : i32
    %broadcast_in_dim3A = arith.constant 0.000000e+00 : f32
    %broadcast_in_dim3A_1 = vector.broadcast %broadcast_in_dim3A : f32 to vector<16xf32>
    %scan3A = arith.constant 0 : i32
    %scan3A_2 = arith.constant 0 : i32
    %scan3A_3 = arith.constant 392 : i32
    %scan3A_4 = arith.addi %scan3A_2, %scan3A_3 : i32
    %scan3A_5 = arith.constant 1 : i32
    scf.for %scan3A_32 = %scan3A_2 to %scan3A_4 step %scan3A_5  : i32 {
      %swap3A = arith.index_cast %scan3A_32 : i32 to index
      %swap3A_33 = arith.constant 0 : index
      %swap3A_34 = tpu.vector_load %arg6[%swap3A, %swap3A_33] {strides = array<i32>} : memref<392x32xf32, #tpu.memory_space<vmem>>, vector<16xf32>,
      tpu.vector_store %arg6[%swap3A, %swap3A_33], %broadcast_in_dim3A_1 {strides = array<i32>} : memref<392x32xf32, #tpu.memory_space<vmem>>, vector<16xf32>,
      %swap3A_35 = arith.index_cast %scan3A_32 : i32 to index
      %swap3A_36 = arith.constant 16 : index
      %swap3A_37 = tpu.vector_load %arg6[%swap3A_35, %swap3A_36] {strides = array<i32>} : memref<392x32xf32, #tpu.memory_space<vmem>>, vector<16xf32>,
      tpu.vector_store %arg6[%swap3A_35, %swap3A_36], %broadcast_in_dim3A_1 {strides = array<i32>} : memref<392x32xf32, #tpu.memory_space<vmem>>, vector<16xf32>,
    }
    %scan3A_6 = arith.constant 392 : i32
    %mul3A_7 = arith.constant 3136 : i32
    %mul3A_8 = arith.muli %arg1, %mul3A_7 : i32
    %add3A_9 = arith.constant 0 : i32
    %add3A_10 = arith.addi %mul3A_8, %add3A_9 : i32
    "tpu.region"() ({
      %run_scoped3A = tpu.sem_alloc : memref<!tpu.dma_semaphore, #tpu.memory_space<semaphore_mem>>
      %dma_start3A = arith.constant 0 : i32
      %dma_start3A_32 = tpu.memref_slice %arg16[%add3A_10, %dma_start3A] : memref<50176x32xf32, #tpu.memory_space<vmem_shared>> -> memref<392x32xf32, #tpu.memory_space<vmem_shared>>
      %dma_start3A_33 = arith.constant 0 : i32
      %dma_start3A_34 = tpu.memref_slice %arg16[%add3A_10, %dma_start3A_33] : memref<50176x32xf32, #tpu.memory_space<vmem_shared>> -> memref<392x32xf32, #tpu.memory_space<vmem_shared>>
      tpu.enqueue_dma source(%arg6 : memref<392x32xf32, #tpu.memory_space<vmem>>) target(%dma_start3A_34 : memref<392x32xf32, #tpu.memory_space<vmem_shared>>) target_semaphore(%run_scoped3A : memref<!tpu.dma_semaphore, #tpu.memory_space<semaphore_mem>>)
      %dma_wait3A = arith.constant 0 : i32
      %dma_wait3A_35 = tpu.memref_slice %arg16[%add3A_10, %dma_wait3A] : memref<50176x32xf32, #tpu.memory_space<vmem_shared>> -> memref<392x32xf32, #tpu.memory_space<vmem_shared>>
      %dma_wait3A_36 = arith.constant 0 : i32
      %dma_wait3A_37 = tpu.memref_slice %arg16[%add3A_10, %dma_wait3A_36] : memref<50176x32xf32, #tpu.memory_space<vmem_shared>> -> memref<392x32xf32, #tpu.memory_space<vmem_shared>>
      tpu.wait_dma2 semaphore(%run_scoped3A : memref<!tpu.dma_semaphore, #tpu.memory_space<semaphore_mem>>) src(%arg6 : memref<392x32xf32, #tpu.memory_space<vmem>>) dst(%dma_wait3A_37 : memref<392x32xf32, #tpu.memory_space<vmem_shared>>)
      tpu.yield
    }) : () -> ()
    %add3A_11 = arith.constant 392 : i32
    %add3A_12 = arith.addi %mul3A_8, %add3A_11 : i32
    "tpu.region"() ({
      %run_scoped3A = tpu.sem_alloc : memref<!tpu.dma_semaphore, #tpu.memory_space<semaphore_mem>>
      %dma_start3A = arith.constant 0 : i32
      %dma_start3A_32 = tpu.memref_slice %arg16[%add3A_12, %dma_start3A] : memref<50176x32xf32, #tpu.memory_space<vmem_shared>> -> memref<392x32xf32, #tpu.memory_space<vmem_shared>>
      %dma_start3A_33 = arith.constant 0 : i32
      %dma_start3A_34 = tpu.memref_slice %arg16[%add3A_12, %dma_start3A_33] : memref<50176x32xf32, #tpu.memory_space<vmem_shared>> -> memref<392x32xf32, #tpu.memory_space<vmem_shared>>
      tpu.enqueue_dma source(%arg6 : memref<392x32xf32, #tpu.memory_space<vmem>>) target(%dma_start3A_34 : memref<392x32xf32, #tpu.memory_space<vmem_shared>>) target_semaphore(%run_scoped3A : memref<!tpu.dma_semaphore, #tpu.memory_space<semaphore_mem>>)
      %dma_wait3A = arith.constant 0 : i32
      %dma_wait3A_35 = tpu.memref_slice %arg16[%add3A_12, %dma_wait3A] : memref<50176x32xf32, #tpu.memory_space<vmem_shared>> -> memref<392x32xf32, #tpu.memory_space<vmem_shared>>
      %dma_wait3A_36 = arith.constant 0 : i32
      %dma_wait3A_37 = tpu.memref_slice %arg16[%add3A_12, %dma_wait3A_36] : memref<50176x32xf32, #tpu.memory_space<vmem_shared>> -> memref<392x32xf32, #tpu.memory_space<vmem_shared>>
      tpu.wait_dma2 semaphore(%run_scoped3A : memref<!tpu.dma_semaphore, #tpu.memory_space<semaphore_mem>>) src(%arg6 : memref<392x32xf32, #tpu.memory_space<vmem>>) dst(%dma_wait3A_37 : memref<392x32xf32, #tpu.memory_space<vmem_shared>>)
      tpu.yield
    }) : () -> ()
    %add3A_13 = arith.constant 784 : i32
    %add3A_14 = arith.addi %mul3A_8, %add3A_13 : i32
    "tpu.region"() ({
      %run_scoped3A = tpu.sem_alloc : memref<!tpu.dma_semaphore, #tpu.memory_space<semaphore_mem>>
      %dma_start3A = arith.constant 0 : i32
      %dma_start3A_32 = tpu.memref_slice %arg16[%add3A_14, %dma_start3A] : memref<50176x32xf32, #tpu.memory_space<vmem_shared>> -> memref<392x32xf32, #tpu.memory_space<vmem_shared>>
      %dma_start3A_33 = arith.constant 0 : i32
      %dma_start3A_34 = tpu.memref_slice %arg16[%add3A_14, %dma_start3A_33] : memref<50176x32xf32, #tpu.memory_space<vmem_shared>> -> memref<392x32xf32, #tpu.memory_space<vmem_shared>>
      tpu.enqueue_dma source(%arg6 : memref<392x32xf32, #tpu.memory_space<vmem>>) target(%dma_start3A_34 : memref<392x32xf32, #tpu.memory_space<vmem_shared>>) target_semaphore(%run_scoped3A : memref<!tpu.dma_semaphore, #tpu.memory_space<semaphore_mem>>)
      %dma_wait3A = arith.constant 0 : i32
      %dma_wait3A_35 = tpu.memref_slice %arg16[%add3A_14, %dma_wait3A] : memref<50176x32xf32, #tpu.memory_space<vmem_shared>> -> memref<392x32xf32, #tpu.memory_space<vmem_shared>>
      %dma_wait3A_36 = arith.constant 0 : i32
      %dma_wait3A_37 = tpu.memref_slice %arg16[%add3A_14, %dma_wait3A_36] : memref<50176x32xf32, #tpu.memory_space<vmem_shared>> -> memref<392x32xf32, #tpu.memory_space<vmem_shared>>
      tpu.wait_dma2 semaphore(%run_scoped3A : memref<!tpu.dma_semaphore, #tpu.memory_space<semaphore_mem>>) src(%arg6 : memref<392x32xf32, #tpu.memory_space<vmem>>) dst(%dma_wait3A_37 : memref<392x32xf32, #tpu.memory_space<vmem_shared>>)
      tpu.yield
    }) : () -> ()
    %add3A_15 = arith.constant 1176 : i32
    %add3A_16 = arith.addi %mul3A_8, %add3A_15 : i32
    "tpu.region"() ({
      %run_scoped3A = tpu.sem_alloc : memref<!tpu.dma_semaphore, #tpu.memory_space<semaphore_mem>>
      %dma_start3A = arith.constant 0 : i32
      %dma_start3A_32 = tpu.memref_slice %arg16[%add3A_16, %dma_start3A] : memref<50176x32xf32, #tpu.memory_space<vmem_shared>> -> memref<392x32xf32, #tpu.memory_space<vmem_shared>>
      %dma_start3A_33 = arith.constant 0 : i32
      %dma_start3A_34 = tpu.memref_slice %arg16[%add3A_16, %dma_start3A_33] : memref<50176x32xf32, #tpu.memory_space<vmem_shared>> -> memref<392x32xf32, #tpu.memory_space<vmem_shared>>
      tpu.enqueue_dma source(%arg6 : memref<392x32xf32, #tpu.memory_space<vmem>>) target(%dma_start3A_34 : memref<392x32xf32, #tpu.memory_space<vmem_shared>>) target_semaphore(%run_scoped3A : memref<!tpu.dma_semaphore, #tpu.memory_space<semaphore_mem>>)
      %dma_wait3A = arith.constant 0 : i32
      %dma_wait3A_35 = tpu.memref_slice %arg16[%add3A_16, %dma_wait3A] : memref<50176x32xf32, #tpu.memory_space<vmem_shared>> -> memref<392x32xf32, #tpu.memory_space<vmem_shared>>
      %dma_wait3A_36 = arith.constant 0 : i32
      %dma_wait3A_37 = tpu.memref_slice %arg16[%add3A_16, %dma_wait3A_36] : memref<50176x32xf32, #tpu.memory_space<vmem_shared>> -> memref<392x32xf32, #tpu.memory_space<vmem_shared>>
      tpu.wait_dma2 semaphore(%run_scoped3A : memref<!tpu.dma_semaphore, #tpu.memory_space<semaphore_mem>>) src(%arg6 : memref<392x32xf32, #tpu.memory_space<vmem>>) dst(%dma_wait3A_37 : memref<392x32xf32, #tpu.memory_space<vmem_shared>>)
      tpu.yield
    }) : () -> ()
    %add3A_17 = arith.constant 1568 : i32
    %add3A_18 = arith.addi %mul3A_8, %add3A_17 : i32
    "tpu.region"() ({
      %run_scoped3A = tpu.sem_alloc : memref<!tpu.dma_semaphore, #tpu.memory_space<semaphore_mem>>
      %dma_start3A = arith.constant 0 : i32
      %dma_start3A_32 = tpu.memref_slice %arg16[%add3A_18, %dma_start3A] : memref<50176x32xf32, #tpu.memory_space<vmem_shared>> -> memref<392x32xf32, #tpu.memory_space<vmem_shared>>
      %dma_start3A_33 = arith.constant 0 : i32
      %dma_start3A_34 = tpu.memref_slice %arg16[%add3A_18, %dma_start3A_33] : memref<50176x32xf32, #tpu.memory_space<vmem_shared>> -> memref<392x32xf32, #tpu.memory_space<vmem_shared>>
      tpu.enqueue_dma source(%arg6 : memref<392x32xf32, #tpu.memory_space<vmem>>) target(%dma_start3A_34 : memref<392x32xf32, #tpu.memory_space<vmem_shared>>) target_semaphore(%run_scoped3A : memref<!tpu.dma_semaphore, #tpu.memory_space<semaphore_mem>>)
      %dma_wait3A = arith.constant 0 : i32
      %dma_wait3A_35 = tpu.memref_slice %arg16[%add3A_18, %dma_wait3A] : memref<50176x32xf32, #tpu.memory_space<vmem_shared>> -> memref<392x32xf32, #tpu.memory_space<vmem_shared>>
      %dma_wait3A_36 = arith.constant 0 : i32
      %dma_wait3A_37 = tpu.memref_slice %arg16[%add3A_18, %dma_wait3A_36] : memref<50176x32xf32, #tpu.memory_space<vmem_shared>> -> memref<392x32xf32, #tpu.memory_space<vmem_shared>>
      tpu.wait_dma2 semaphore(%run_scoped3A : memref<!tpu.dma_semaphore, #tpu.memory_space<semaphore_mem>>) src(%arg6 : memref<392x32xf32, #tpu.memory_space<vmem>>) dst(%dma_wait3A_37 : memref<392x32xf32, #tpu.memory_space<vmem_shared>>)
      tpu.yield
    }) : () -> ()
    %add3A_19 = arith.constant 1960 : i32
    %add3A_20 = arith.addi %mul3A_8, %add3A_19 : i32
    "tpu.region"() ({
      %run_scoped3A = tpu.sem_alloc : memref<!tpu.dma_semaphore, #tpu.memory_space<semaphore_mem>>
      %dma_start3A = arith.constant 0 : i32
      %dma_start3A_32 = tpu.memref_slice %arg16[%add3A_20, %dma_start3A] : memref<50176x32xf32, #tpu.memory_space<vmem_shared>> -> memref<392x32xf32, #tpu.memory_space<vmem_shared>>
      %dma_start3A_33 = arith.constant 0 : i32
      %dma_start3A_34 = tpu.memref_slice %arg16[%add3A_20, %dma_start3A_33] : memref<50176x32xf32, #tpu.memory_space<vmem_shared>> -> memref<392x32xf32, #tpu.memory_space<vmem_shared>>
      tpu.enqueue_dma source(%arg6 : memref<392x32xf32, #tpu.memory_space<vmem>>) target(%dma_start3A_34 : memref<392x32xf32, #tpu.memory_space<vmem_shared>>) target_semaphore(%run_scoped3A : memref<!tpu.dma_semaphore, #tpu.memory_space<semaphore_mem>>)
      %dma_wait3A = arith.constant 0 : i32
      %dma_wait3A_35 = tpu.memref_slice %arg16[%add3A_20, %dma_wait3A] : memref<50176x32xf32, #tpu.memory_space<vmem_shared>> -> memref<392x32xf32, #tpu.memory_space<vmem_shared>>
      %dma_wait3A_36 = arith.constant 0 : i32
      %dma_wait3A_37 = tpu.memref_slice %arg16[%add3A_20, %dma_wait3A_36] : memref<50176x32xf32, #tpu.memory_space<vmem_shared>> -> memref<392x32xf32, #tpu.memory_space<vmem_shared>>
      tpu.wait_dma2 semaphore(%run_scoped3A : memref<!tpu.dma_semaphore, #tpu.memory_space<semaphore_mem>>) src(%arg6 : memref<392x32xf32, #tpu.memory_space<vmem>>) dst(%dma_wait3A_37 : memref<392x32xf32, #tpu.memory_space<vmem_shared>>)
      tpu.yield
    }) : () -> ()
    %add3A_21 = arith.constant 2352 : i32
    %add3A_22 = arith.addi %mul3A_8, %add3A_21 : i32
    "tpu.region"() ({
      %run_scoped3A = tpu.sem_alloc : memref<!tpu.dma_semaphore, #tpu.memory_space<semaphore_mem>>
      %dma_start3A = arith.constant 0 : i32
      %dma_start3A_32 = tpu.memref_slice %arg16[%add3A_22, %dma_start3A] : memref<50176x32xf32, #tpu.memory_space<vmem_shared>> -> memref<392x32xf32, #tpu.memory_space<vmem_shared>>
      %dma_start3A_33 = arith.constant 0 : i32
      %dma_start3A_34 = tpu.memref_slice %arg16[%add3A_22, %dma_start3A_33] : memref<50176x32xf32, #tpu.memory_space<vmem_shared>> -> memref<392x32xf32, #tpu.memory_space<vmem_shared>>
      tpu.enqueue_dma source(%arg6 : memref<392x32xf32, #tpu.memory_space<vmem>>) target(%dma_start3A_34 : memref<392x32xf32, #tpu.memory_space<vmem_shared>>) target_semaphore(%run_scoped3A : memref<!tpu.dma_semaphore, #tpu.memory_space<semaphore_mem>>)
      %dma_wait3A = arith.constant 0 : i32
      %dma_wait3A_35 = tpu.memref_slice %arg16[%add3A_22, %dma_wait3A] : memref<50176x32xf32, #tpu.memory_space<vmem_shared>> -> memref<392x32xf32, #tpu.memory_space<vmem_shared>>
      %dma_wait3A_36 = arith.constant 0 : i32
      %dma_wait3A_37 = tpu.memref_slice %arg16[%add3A_22, %dma_wait3A_36] : memref<50176x32xf32, #tpu.memory_space<vmem_shared>> -> memref<392x32xf32, #tpu.memory_space<vmem_shared>>
      tpu.wait_dma2 semaphore(%run_scoped3A : memref<!tpu.dma_semaphore, #tpu.memory_space<semaphore_mem>>) src(%arg6 : memref<392x32xf32, #tpu.memory_space<vmem>>) dst(%dma_wait3A_37 : memref<392x32xf32, #tpu.memory_space<vmem_shared>>)
      tpu.yield
    }) : () -> ()
    %add3A_23 = arith.constant 2744 : i32
    %add3A_24 = arith.addi %mul3A_8, %add3A_23 : i32
    "tpu.region"() ({
      %run_scoped3A = tpu.sem_alloc : memref<!tpu.dma_semaphore, #tpu.memory_space<semaphore_mem>>
      %dma_start3A = arith.constant 0 : i32
      %dma_start3A_32 = tpu.memref_slice %arg16[%add3A_24, %dma_start3A] : memref<50176x32xf32, #tpu.memory_space<vmem_shared>> -> memref<392x32xf32, #tpu.memory_space<vmem_shared>>
      %dma_start3A_33 = arith.constant 0 : i32
      %dma_start3A_34 = tpu.memref_slice %arg16[%add3A_24, %dma_start3A_33] : memref<50176x32xf32, #tpu.memory_space<vmem_shared>> -> memref<392x32xf32, #tpu.memory_space<vmem_shared>>
      tpu.enqueue_dma source(%arg6 : memref<392x32xf32, #tpu.memory_space<vmem>>) target(%dma_start3A_34 : memref<392x32xf32, #tpu.memory_space<vmem_shared>>) target_semaphore(%run_scoped3A : memref<!tpu.dma_semaphore, #tpu.memory_space<semaphore_mem>>)
      %dma_wait3A = arith.constant 0 : i32
      %dma_wait3A_35 = tpu.memref_slice %arg16[%add3A_24, %dma_wait3A] : memref<50176x32xf32, #tpu.memory_space<vmem_shared>> -> memref<392x32xf32, #tpu.memory_space<vmem_shared>>
      %dma_wait3A_36 = arith.constant 0 : i32
      %dma_wait3A_37 = tpu.memref_slice %arg16[%add3A_24, %dma_wait3A_36] : memref<50176x32xf32, #tpu.memory_space<vmem_shared>> -> memref<392x32xf32, #tpu.memory_space<vmem_shared>>
      tpu.wait_dma2 semaphore(%run_scoped3A : memref<!tpu.dma_semaphore, #tpu.memory_space<semaphore_mem>>) src(%arg6 : memref<392x32xf32, #tpu.memory_space<vmem>>) dst(%dma_wait3A_37 : memref<392x32xf32, #tpu.memory_space<vmem_shared>>)
      tpu.yield
    }) : () -> ()
    %barrier3A = arith.constant 0 : index
    tpu.barrier barrier_id(%barrier3A)
    %scan3A_25 = arith.constant 0 : i32
    %scan3A_26 = arith.constant 0 : i32
    %scan3A_27 = arith.constant 64 : i32
    %scan3A_28 = arith.addi %scan3A_26, %scan3A_27 : i32
    %scan3A_29 = arith.constant 1 : i32
    scf.for %scan3A_32 = %scan3A_26 to %scan3A_28 step %scan3A_29  : i32 {
      %mul3A_33 = arith.constant 50176 : i32
      %mul3A_34 = arith.muli %add3A, %mul3A_33 : i32
      %mul3A_35 = arith.constant 784 : i32
      %mul3A_36 = arith.muli %scan3A_32, %mul3A_35 : i32
      %add3A_37 = arith.addi %mul3A_34, %mul3A_36 : i32
      "tpu.region"() ({
        %run_scoped3A = tpu.sem_alloc : memref<!tpu.dma_semaphore, #tpu.memory_space<semaphore_mem>>
        %dma_start3A_64 = tpu.memref_slice %arg3[%add3A_37] : memref<1605632xi32, #tpu.memory_space<hbm>> -> memref<392xi32, #tpu.memory_space<hbm>>
        %dma_start3A_65 = tpu.memref_slice %arg3[%add3A_37] : memref<1605632xi32, #tpu.memory_space<hbm>> -> memref<392xi32, #tpu.memory_space<hbm>>
        tpu.enqueue_dma source(%dma_start3A_65 : memref<392xi32, #tpu.memory_space<hbm>>) target(%arg8 : memref<392xi32, #tpu.memory_space<vmem>>) target_semaphore(%run_scoped3A : memref<!tpu.dma_semaphore, #tpu.memory_space<semaphore_mem>>)
        %dma_wait3A_66 = tpu.memref_slice %arg3[%add3A_37] : memref<1605632xi32, #tpu.memory_space<hbm>> -> memref<392xi32, #tpu.memory_space<hbm>>
        %dma_wait3A_67 = tpu.memref_slice %arg3[%add3A_37] : memref<1605632xi32, #tpu.memory_space<hbm>> -> memref<392xi32, #tpu.memory_space<hbm>>
        tpu.wait_dma2 semaphore(%run_scoped3A : memref<!tpu.dma_semaphore, #tpu.memory_space<semaphore_mem>>) src(%dma_wait3A_67 : memref<392xi32, #tpu.memory_space<hbm>>) dst(%arg8 : memref<392xi32, #tpu.memory_space<vmem>>)
        tpu.yield
      }) : () -> ()
      "tpu.region"() ({
        %run_scoped3A = tpu.sem_alloc : memref<!tpu.dma_semaphore, #tpu.memory_space<semaphore_mem>>
        %dma_start3A_64 = tpu.memref_slice %arg4[%add3A_37] : memref<1605632xi32, #tpu.memory_space<hbm>> -> memref<392xi32, #tpu.memory_space<hbm>>
        %dma_start3A_65 = tpu.memref_slice %arg4[%add3A_37] : memref<1605632xi32, #tpu.memory_space<hbm>> -> memref<392xi32, #tpu.memory_space<hbm>>
        tpu.enqueue_dma source(%dma_start3A_65 : memref<392xi32, #tpu.memory_space<hbm>>) target(%arg9 : memref<392xi32, #tpu.memory_space<vmem>>) target_semaphore(%run_scoped3A : memref<!tpu.dma_semaphore, #tpu.memory_space<semaphore_mem>>)
        %dma_wait3A_66 = tpu.memref_slice %arg4[%add3A_37] : memref<1605632xi32, #tpu.memory_space<hbm>> -> memref<392xi32, #tpu.memory_space<hbm>>
        %dma_wait3A_67 = tpu.memref_slice %arg4[%add3A_37] : memref<1605632xi32, #tpu.memory_space<hbm>> -> memref<392xi32, #tpu.memory_space<hbm>>
        tpu.wait_dma2 semaphore(%run_scoped3A : memref<!tpu.dma_semaphore, #tpu.memory_space<semaphore_mem>>) src(%dma_wait3A_67 : memref<392xi32, #tpu.memory_space<hbm>>) dst(%arg9 : memref<392xi32, #tpu.memory_space<vmem>>)
        tpu.yield
      }) : () -> ()
      %dma_start3A = arith.constant 0 : i32
      %dma_start3A_38 = arith.constant 0 : i32
      %dma_start3A_39 = tpu.memref_slice %arg2[%dma_start3A, %dma_start3A_38] : memref<50176x32xf32, #tpu.memory_space<hbm>> -> memref<50176x32xf32, #tpu.memory_space<hbm>>
      tpu.enqueue_indirect_dma source(%dma_start3A_39 : memref<50176x32xf32, #tpu.memory_space<hbm>>) target(%arg6 : memref<392x32xf32, #tpu.memory_space<vmem>>) offsets(%arg8 : memref<392xi32, #tpu.memory_space<vmem>>) semaphore(%arg12 : memref<!tpu.dma_semaphore, #tpu.memory_space<semaphore_mem>>)
      %add3A_40 = arith.constant 392 : i32
      %add3A_41 = arith.addi %add3A_37, %add3A_40 : i32
      "tpu.region"() ({
        %run_scoped3A = tpu.sem_alloc : memref<!tpu.dma_semaphore, #tpu.memory_space<semaphore_mem>>
        %dma_start3A_64 = tpu.memref_slice %arg3[%add3A_41] : memref<1605632xi32, #tpu.memory_space<hbm>> -> memref<392xi32, #tpu.memory_space<hbm>>
        %dma_start3A_65 = tpu.memref_slice %arg3[%add3A_41] : memref<1605632xi32, #tpu.memory_space<hbm>> -> memref<392xi32, #tpu.memory_space<hbm>>
        tpu.enqueue_dma source(%dma_start3A_65 : memref<392xi32, #tpu.memory_space<hbm>>) target(%arg10 : memref<392xi32, #tpu.memory_space<vmem>>) target_semaphore(%run_scoped3A : memref<!tpu.dma_semaphore, #tpu.memory_space<semaphore_mem>>)
        %dma_wait3A_66 = tpu.memref_slice %arg3[%add3A_41] : memref<1605632xi32, #tpu.memory_space<hbm>> -> memref<392xi32, #tpu.memory_space<hbm>>
        %dma_wait3A_67 = tpu.memref_slice %arg3[%add3A_41] : memref<1605632xi32, #tpu.memory_space<hbm>> -> memref<392xi32, #tpu.memory_space<hbm>>
        tpu.wait_dma2 semaphore(%run_scoped3A : memref<!tpu.dma_semaphore, #tpu.memory_space<semaphore_mem>>) src(%dma_wait3A_67 : memref<392xi32, #tpu.memory_space<hbm>>) dst(%arg10 : memref<392xi32, #tpu.memory_space<vmem>>)
        tpu.yield
      }) : () -> ()
      %add3A_42 = arith.constant 392 : i32
      %add3A_43 = arith.addi %add3A_37, %add3A_42 : i32
      "tpu.region"() ({
        %run_scoped3A = tpu.sem_alloc : memref<!tpu.dma_semaphore, #tpu.memory_space<semaphore_mem>>
        %dma_start3A_64 = tpu.memref_slice %arg4[%add3A_43] : memref<1605632xi32, #tpu.memory_space<hbm>> -> memref<392xi32, #tpu.memory_space<hbm>>
        %dma_start3A_65 = tpu.memref_slice %arg4[%add3A_43] : memref<1605632xi32, #tpu.memory_space<hbm>> -> memref<392xi32, #tpu.memory_space<hbm>>
        tpu.enqueue_dma source(%dma_start3A_65 : memref<392xi32, #tpu.memory_space<hbm>>) target(%arg11 : memref<392xi32, #tpu.memory_space<vmem>>) target_semaphore(%run_scoped3A : memref<!tpu.dma_semaphore, #tpu.memory_space<semaphore_mem>>)
        %dma_wait3A_66 = tpu.memref_slice %arg4[%add3A_43] : memref<1605632xi32, #tpu.memory_space<hbm>> -> memref<392xi32, #tpu.memory_space<hbm>>
        %dma_wait3A_67 = tpu.memref_slice %arg4[%add3A_43] : memref<1605632xi32, #tpu.memory_space<hbm>> -> memref<392xi32, #tpu.memory_space<hbm>>
        tpu.wait_dma2 semaphore(%run_scoped3A : memref<!tpu.dma_semaphore, #tpu.memory_space<semaphore_mem>>) src(%dma_wait3A_67 : memref<392xi32, #tpu.memory_space<hbm>>) dst(%arg11 : memref<392xi32, #tpu.memory_space<vmem>>)
        tpu.yield
      }) : () -> ()
      %dma_start3A_44 = arith.constant 0 : i32
      %dma_start3A_45 = arith.constant 0 : i32
      %dma_start3A_46 = tpu.memref_slice %arg2[%dma_start3A_44, %dma_start3A_45] : memref<50176x32xf32, #tpu.memory_space<hbm>> -> memref<50176x32xf32, #tpu.memory_space<hbm>>
      tpu.enqueue_indirect_dma source(%dma_start3A_46 : memref<50176x32xf32, #tpu.memory_space<hbm>>) target(%arg7 : memref<392x32xf32, #tpu.memory_space<vmem>>) offsets(%arg10 : memref<392xi32, #tpu.memory_space<vmem>>) semaphore(%arg13 : memref<!tpu.dma_semaphore, #tpu.memory_space<semaphore_mem>>)
      %dma_wait3A = arith.constant 0 : i32
      %dma_wait3A_47 = arith.constant 0 : i32
      %dma_wait3A_48 = tpu.memref_slice %arg2[%dma_wait3A, %dma_wait3A_47] : memref<50176x32xf32, #tpu.memory_space<hbm>> -> memref<50176x32xf32, #tpu.memory_space<hbm>>
      tpu.wait_indirect_dma semaphore(%arg12 : memref<!tpu.dma_semaphore, #tpu.memory_space<semaphore_mem>>) src(%dma_wait3A_48 : memref<50176x32xf32, #tpu.memory_space<hbm>>) dst(%arg6 : memref<392x32xf32, #tpu.memory_space<vmem>>)
      %dma_start3A_49 = arith.constant 0 : i32
      %dma_start3A_50 = arith.constant 0 : i32
      %dma_start3A_51 = tpu.memref_slice %arg16[%dma_start3A_49, %dma_start3A_50] : memref<50176x32xf32, #tpu.memory_space<vmem_shared>> -> memref<50176x32xf32, #tpu.memory_space<vmem_shared>>
      tpu.enqueue_indirect_dma source(%arg6 : memref<392x32xf32, #tpu.memory_space<vmem>>) target(%dma_start3A_51 : memref<50176x32xf32, #tpu.memory_space<vmem_shared>>) offsets(%arg9 : memref<392xi32, #tpu.memory_space<vmem>>) semaphore(%arg14 : memref<!tpu.dma_semaphore, #tpu.memory_space<semaphore_mem>>) {add = true}
      %dma_wait3A_52 = arith.constant 0 : i32
      %dma_wait3A_53 = arith.constant 0 : i32
      %dma_wait3A_54 = tpu.memref_slice %arg2[%dma_wait3A_52, %dma_wait3A_53] : memref<50176x32xf32, #tpu.memory_space<hbm>> -> memref<50176x32xf32, #tpu.memory_space<hbm>>
      tpu.wait_indirect_dma semaphore(%arg13 : memref<!tpu.dma_semaphore, #tpu.memory_space<semaphore_mem>>) src(%dma_wait3A_54 : memref<50176x32xf32, #tpu.memory_space<hbm>>) dst(%arg7 : memref<392x32xf32, #tpu.memory_space<vmem>>)
      %dma_start3A_55 = arith.constant 0 : i32
      %dma_start3A_56 = arith.constant 0 : i32
      %dma_start3A_57 = tpu.memref_slice %arg16[%dma_start3A_55, %dma_start3A_56] : memref<50176x32xf32, #tpu.memory_space<vmem_shared>> -> memref<50176x32xf32, #tpu.memory_space<vmem_shared>>
      tpu.enqueue_indirect_dma source(%arg7 : memref<392x32xf32, #tpu.memory_space<vmem>>) target(%dma_start3A_57 : memref<50176x32xf32, #tpu.memory_space<vmem_shared>>) offsets(%arg11 : memref<392xi32, #tpu.memory_space<vmem>>) semaphore(%arg15 : memref<!tpu.dma_semaphore, #tpu.memory_space<semaphore_mem>>) {add = true}
      %dma_wait3A_58 = arith.constant 0 : i32
      %dma_wait3A_59 = arith.constant 0 : i32
      %dma_wait3A_60 = tpu.memref_slice %arg16[%dma_wait3A_58, %dma_wait3A_59] : memref<50176x32xf32, #tpu.memory_space<vmem_shared>> -> memref<50176x32xf32, #tpu.memory_space<vmem_shared>>
      tpu.wait_indirect_dma semaphore(%arg14 : memref<!tpu.dma_semaphore, #tpu.memory_space<semaphore_mem>>) src(%arg6 : memref<392x32xf32, #tpu.memory_space<vmem>>) dst(%dma_wait3A_60 : memref<50176x32xf32, #tpu.memory_space<vmem_shared>>)
      %dma_wait3A_61 = arith.constant 0 : i32
      %dma_wait3A_62 = arith.constant 0 : i32
      %dma_wait3A_63 = tpu.memref_slice %arg16[%dma_wait3A_61, %dma_wait3A_62] : memref<50176x32xf32, #tpu.memory_space<vmem_shared>> -> memref<50176x32xf32, #tpu.memory_space<vmem_shared>>
      tpu.wait_indirect_dma semaphore(%arg15 : memref<!tpu.dma_semaphore, #tpu.memory_space<semaphore_mem>>) src(%arg7 : memref<392x32xf32, #tpu.memory_space<vmem>>) dst(%dma_wait3A_63 : memref<50176x32xf32, #tpu.memory_space<vmem_shared>>)
    }
    %scan3A_30 = arith.constant 64 : i32
    %barrier3A_31 = arith.constant 0 : index
    tpu.barrier barrier_id(%barrier3A_31)
    "tpu.region"() ({
      %run_scoped3A = tpu.sem_alloc : memref<!tpu.dma_semaphore, #tpu.memory_space<semaphore_mem>>
      %dma_start3A = arith.constant 0 : i32
      %dma_start3A_32 = tpu.memref_slice %arg5[%arg0, %mul3A_8, %dma_start3A] : memref<2x50176x32xf32, #tpu.memory_space<hbm>> -> memref<1x3136x32xf32, #tpu.memory_space<hbm>>
      %dma_start3A_33 = tpu.memref_squeeze %dma_start3A_32 : memref<1x3136x32xf32, #tpu.memory_space<hbm>> -> memref<3136x32xf32, #tpu.memory_space<hbm>>
      %dma_start3A_34 = arith.constant 0 : i32
      %dma_start3A_35 = tpu.memref_slice %arg16[%mul3A_8, %dma_start3A_34] : memref<50176x32xf32, #tpu.memory_space<vmem_shared>> -> memref<3136x32xf32, #tpu.memory_space<vmem_shared>>
      tpu.enqueue_dma source(%dma_start3A_35 : memref<3136x32xf32, #tpu.memory_space<vmem_shared>>) target(%dma_start3A_33 : memref<3136x32xf32, #tpu.memory_space<hbm>>) target_semaphore(%run_scoped3A : memref<!tpu.dma_semaphore, #tpu.memory_space<semaphore_mem>>)
      %dma_wait3A = arith.constant 0 : i32
      %dma_wait3A_36 = tpu.memref_slice %arg5[%arg0, %mul3A_8, %dma_wait3A] : memref<2x50176x32xf32, #tpu.memory_space<hbm>> -> memref<1x3136x32xf32, #tpu.memory_space<hbm>>
      %dma_wait3A_37 = tpu.memref_squeeze %dma_wait3A_36 : memref<1x3136x32xf32, #tpu.memory_space<hbm>> -> memref<3136x32xf32, #tpu.memory_space<hbm>>
      %dma_wait3A_38 = arith.constant 0 : i32
      %dma_wait3A_39 = tpu.memref_slice %arg16[%mul3A_8, %dma_wait3A_38] : memref<50176x32xf32, #tpu.memory_space<vmem_shared>> -> memref<3136x32xf32, #tpu.memory_space<vmem_shared>>
      tpu.wait_dma2 semaphore(%run_scoped3A : memref<!tpu.dma_semaphore, #tpu.memory_space<semaphore_mem>>) src(%dma_wait3A_39 : memref<3136x32xf32, #tpu.memory_space<vmem_shared>>) dst(%dma_wait3A_37 : memref<3136x32xf32, #tpu.memory_space<hbm>>)
      tpu.yield
    }) : () -> ()
    return
  }
}

#map = affine_map<(d0, d1) -> (0)>
#map1 = affine_map<(d0, d1) -> (0, 0)>
module attributes {stable_mosaic.version = 14 : i64} {
  func.func @_scd_body(%arg0: i32, %arg1: i32, %arg2: memref<1605632xi32, #tpu.memory_space<hbm>>, %arg3: memref<32x50176xf32, #tpu.memory_space<hbm>>, %arg4: memref<50176xf32, #tpu.memory_space<vmem>>, %arg5: memref<1024xi32, #tpu.memory_space<vmem>>) attributes {dimension_semantics = [#tpu.dimension_semantics<core_parallel>, #tpu.dimension_semantics<subcore_parallel>], iteration_bounds = array<i64: 2, 16>, scalar_prefetch = 0 : i64, scratch_operands = 2 : i64, tpu.core_type = #tpu.core_type<sc_vector_subcore>, window_params = [{transform_indices = #map}, {transform_indices = #map1}]} {
    %mul3A = arith.constant 16 : i32
    %mul3A_0 = arith.muli %arg0, %mul3A : i32
    %add3A = arith.addi %mul3A_0, %arg1 : i32
    %broadcast_in_dim3A = arith.constant 0.000000e+00 : f32
    %broadcast_in_dim3A_1 = vector.broadcast %broadcast_in_dim3A : f32 to vector<16xf32>
    %broadcast_in_dim3A_2 = arith.constant 1.000000e+00 : f32
    %broadcast_in_dim3A_3 = vector.broadcast %broadcast_in_dim3A_2 : f32 to vector<16xf32>
    %scan3A = arith.constant 0 : i32
    %scan3A_4 = arith.constant 0 : i32
    %scan3A_5 = arith.constant 3136 : i32
    %scan3A_6 = arith.addi %scan3A_4, %scan3A_5 : i32
    %scan3A_7 = arith.constant 1 : i32
    scf.for %scan3A_15 = %scan3A_4 to %scan3A_6 step %scan3A_7  : i32 {
      %mul3A_16 = arith.constant 16 : i32
      %mul3A_17 = arith.muli %scan3A_15, %mul3A_16 : i32
      %swap3A = arith.index_cast %mul3A_17 : i32 to index
      %swap3A_18 = tpu.vector_load %arg4[%swap3A] {strides = array<i32>} : memref<50176xf32, #tpu.memory_space<vmem>>, vector<16xf32>,
      tpu.vector_store %arg4[%swap3A], %broadcast_in_dim3A_1 {strides = array<i32>} : memref<50176xf32, #tpu.memory_space<vmem>>, vector<16xf32>,
    }
    %scan3A_8 = arith.constant 3136 : i32
    %scan3A_9 = arith.constant 0 : i32
    %scan3A_10 = arith.constant 0 : i32
    %scan3A_11 = arith.constant 49 : i32
    %scan3A_12 = arith.addi %scan3A_10, %scan3A_11 : i32
    %scan3A_13 = arith.constant 1 : i32
    scf.for %scan3A_15 = %scan3A_10 to %scan3A_12 step %scan3A_13  : i32 {
      %mul3A_16 = arith.constant 50176 : i32
      %mul3A_17 = arith.muli %add3A, %mul3A_16 : i32
      %mul3A_18 = arith.constant 1024 : i32
      %mul3A_19 = arith.muli %scan3A_15, %mul3A_18 : i32
      %add3A_20 = arith.addi %mul3A_17, %mul3A_19 : i32
      "tpu.region"() ({
        %run_scoped3A = tpu.sem_alloc : memref<!tpu.dma_semaphore, #tpu.memory_space<semaphore_mem>>
        %dma_start3A = tpu.memref_slice %arg2[%add3A_20] : memref<1605632xi32, #tpu.memory_space<hbm>> -> memref<1024xi32, #tpu.memory_space<hbm>>
        %dma_start3A_27 = tpu.memref_slice %arg2[%add3A_20] : memref<1605632xi32, #tpu.memory_space<hbm>> -> memref<1024xi32, #tpu.memory_space<hbm>>
        tpu.enqueue_dma source(%dma_start3A_27 : memref<1024xi32, #tpu.memory_space<hbm>>) target(%arg5 : memref<1024xi32, #tpu.memory_space<vmem>>) target_semaphore(%run_scoped3A : memref<!tpu.dma_semaphore, #tpu.memory_space<semaphore_mem>>)
        %dma_wait3A = tpu.memref_slice %arg2[%add3A_20] : memref<1605632xi32, #tpu.memory_space<hbm>> -> memref<1024xi32, #tpu.memory_space<hbm>>
        %dma_wait3A_28 = tpu.memref_slice %arg2[%add3A_20] : memref<1605632xi32, #tpu.memory_space<hbm>> -> memref<1024xi32, #tpu.memory_space<hbm>>
        tpu.wait_dma2 semaphore(%run_scoped3A : memref<!tpu.dma_semaphore, #tpu.memory_space<semaphore_mem>>) src(%dma_wait3A_28 : memref<1024xi32, #tpu.memory_space<hbm>>) dst(%arg5 : memref<1024xi32, #tpu.memory_space<vmem>>)
        tpu.yield
      }) : () -> ()
      %scan3A_21 = arith.constant 0 : i32
      %scan3A_22 = arith.constant 0 : i32
      %scan3A_23 = arith.constant 64 : i32
      %scan3A_24 = arith.addi %scan3A_22, %scan3A_23 : i32
      %scan3A_25 = arith.constant 1 : i32
      scf.for %scan3A_27 = %scan3A_22 to %scan3A_24 step %scan3A_25  : i32 {
        %mul3A_28 = arith.constant 16 : i32
        %mul3A_29 = arith.muli %scan3A_27, %mul3A_28 : i32
        %get3A = arith.index_cast %mul3A_29 : i32 to index
        %get3A_30 = tpu.vector_load %arg5[%get3A] {strides = array<i32>} : memref<1024xi32, #tpu.memory_space<vmem>>, vector<16xi32>,
        tpu.vector_store_idx %arg4[%get3A_30], %broadcast_in_dim3A_3 {add = true} : memref<50176xf32, #tpu.memory_space<vmem>>[vector<16xi32>], vector<16xf32>,
      }
      %scan3A_26 = arith.constant 64 : i32
    }
    %scan3A_14 = arith.constant 49 : i32
    "tpu.region"() ({
      %run_scoped3A = tpu.sem_alloc : memref<!tpu.dma_semaphore, #tpu.memory_space<semaphore_mem>>
      %dma_start3A = arith.constant 0 : i32
      %dma_start3A_15 = tpu.memref_slice %arg3[%add3A, %dma_start3A] : memref<32x50176xf32, #tpu.memory_space<hbm>> -> memref<1x50176xf32, #tpu.memory_space<hbm>>
      %dma_start3A_16 = tpu.memref_squeeze %dma_start3A_15 : memref<1x50176xf32, #tpu.memory_space<hbm>> -> memref<50176xf32, #tpu.memory_space<hbm>>
      %dma_start3A_17 = arith.constant 0 : i32
      %dma_start3A_18 = tpu.memref_slice %arg3[%add3A, %dma_start3A_17] : memref<32x50176xf32, #tpu.memory_space<hbm>> -> memref<1x50176xf32, #tpu.memory_space<hbm>>
      %dma_start3A_19 = tpu.memref_squeeze %dma_start3A_18 : memref<1x50176xf32, #tpu.memory_space<hbm>> -> memref<50176xf32, #tpu.memory_space<hbm>>
      tpu.enqueue_dma source(%arg4 : memref<50176xf32, #tpu.memory_space<vmem>>) target(%dma_start3A_19 : memref<50176xf32, #tpu.memory_space<hbm>>) target_semaphore(%run_scoped3A : memref<!tpu.dma_semaphore, #tpu.memory_space<semaphore_mem>>)
      %dma_wait3A = arith.constant 0 : i32
      %dma_wait3A_20 = tpu.memref_slice %arg3[%add3A, %dma_wait3A] : memref<32x50176xf32, #tpu.memory_space<hbm>> -> memref<1x50176xf32, #tpu.memory_space<hbm>>
      %dma_wait3A_21 = tpu.memref_squeeze %dma_wait3A_20 : memref<1x50176xf32, #tpu.memory_space<hbm>> -> memref<50176xf32, #tpu.memory_space<hbm>>
      %dma_wait3A_22 = arith.constant 0 : i32
      %dma_wait3A_23 = tpu.memref_slice %arg3[%add3A, %dma_wait3A_22] : memref<32x50176xf32, #tpu.memory_space<hbm>> -> memref<1x50176xf32, #tpu.memory_space<hbm>>
      %dma_wait3A_24 = tpu.memref_squeeze %dma_wait3A_23 : memref<1x50176xf32, #tpu.memory_space<hbm>> -> memref<50176xf32, #tpu.memory_space<hbm>>
      tpu.wait_dma2 semaphore(%run_scoped3A : memref<!tpu.dma_semaphore, #tpu.memory_space<semaphore_mem>>) src(%arg4 : memref<50176xf32, #tpu.memory_space<vmem>>) dst(%dma_wait3A_24 : memref<50176xf32, #tpu.memory_space<hbm>>)
      tpu.yield
    }) : () -> ()
    return
  }
}

#map = affine_map<(d0, d1) -> (0)>
#map1 = affine_map<(d0, d1) -> (0, 0)>
module attributes {stable_mosaic.version = 14 : i64} {
  func.func @_scb_body(%arg0: i32, %arg1: i32, %arg2: memref<50176xf32, #tpu.memory_space<hbm>>, %arg3: memref<1605632xi32, #tpu.memory_space<hbm>>, %arg4: memref<1605632xi32, #tpu.memory_space<hbm>>, %arg5: memref<32x50176xf32, #tpu.memory_space<hbm>>, %arg6: memref<50176xf32, #tpu.memory_space<vmem>>, %arg7: memref<50176xf32, #tpu.memory_space<vmem>>, %arg8: memref<1024xi32, #tpu.memory_space<vmem>>, %arg9: memref<1024xi32, #tpu.memory_space<vmem>>) attributes {dimension_semantics = [#tpu.dimension_semantics<core_parallel>, #tpu.dimension_semantics<subcore_parallel>], iteration_bounds = array<i64: 2, 16>, scalar_prefetch = 0 : i64, scratch_operands = 4 : i64, tpu.core_type = #tpu.core_type<sc_vector_subcore>, window_params = [{transform_indices = #map}, {transform_indices = #map}, {transform_indices = #map}, {transform_indices = #map1}]} {
    %mul3A = arith.constant 16 : i32
    %mul3A_0 = arith.muli %arg0, %mul3A : i32
    %add3A = arith.addi %mul3A_0, %arg1 : i32
    %broadcast_in_dim3A = arith.constant 0.000000e+00 : f32
    %broadcast_in_dim3A_1 = vector.broadcast %broadcast_in_dim3A : f32 to vector<16xf32>
    "tpu.region"() ({
      %run_scoped3A = tpu.sem_alloc : memref<!tpu.dma_semaphore, #tpu.memory_space<semaphore_mem>>
      tpu.enqueue_dma source(%arg2 : memref<50176xf32, #tpu.memory_space<hbm>>) target(%arg6 : memref<50176xf32, #tpu.memory_space<vmem>>) target_semaphore(%run_scoped3A : memref<!tpu.dma_semaphore, #tpu.memory_space<semaphore_mem>>)
      tpu.wait_dma2 semaphore(%run_scoped3A : memref<!tpu.dma_semaphore, #tpu.memory_space<semaphore_mem>>) src(%arg2 : memref<50176xf32, #tpu.memory_space<hbm>>) dst(%arg6 : memref<50176xf32, #tpu.memory_space<vmem>>)
      tpu.yield
    }) : () -> ()
    %scan3A = arith.constant 0 : i32
    %scan3A_2 = arith.constant 0 : i32
    %scan3A_3 = arith.constant 3136 : i32
    %scan3A_4 = arith.addi %scan3A_2, %scan3A_3 : i32
    %scan3A_5 = arith.constant 1 : i32
    scf.for %scan3A_13 = %scan3A_2 to %scan3A_4 step %scan3A_5  : i32 {
      %mul3A_14 = arith.constant 16 : i32
      %mul3A_15 = arith.muli %scan3A_13, %mul3A_14 : i32
      %swap3A = arith.index_cast %mul3A_15 : i32 to index
      %swap3A_16 = tpu.vector_load %arg7[%swap3A] {strides = array<i32>} : memref<50176xf32, #tpu.memory_space<vmem>>, vector<16xf32>,
      tpu.vector_store %arg7[%swap3A], %broadcast_in_dim3A_1 {strides = array<i32>} : memref<50176xf32, #tpu.memory_space<vmem>>, vector<16xf32>,
    }
    %scan3A_6 = arith.constant 3136 : i32
    %scan3A_7 = arith.constant 0 : i32
    %scan3A_8 = arith.constant 0 : i32
    %scan3A_9 = arith.constant 49 : i32
    %scan3A_10 = arith.addi %scan3A_8, %scan3A_9 : i32
    %scan3A_11 = arith.constant 1 : i32
    scf.for %scan3A_13 = %scan3A_8 to %scan3A_10 step %scan3A_11  : i32 {
      %mul3A_14 = arith.constant 50176 : i32
      %mul3A_15 = arith.muli %add3A, %mul3A_14 : i32
      %mul3A_16 = arith.constant 1024 : i32
      %mul3A_17 = arith.muli %scan3A_13, %mul3A_16 : i32
      %add3A_18 = arith.addi %mul3A_15, %mul3A_17 : i32
      "tpu.region"() ({
        %run_scoped3A = tpu.sem_alloc : memref<!tpu.dma_semaphore, #tpu.memory_space<semaphore_mem>>
        %dma_start3A = tpu.memref_slice %arg3[%add3A_18] : memref<1605632xi32, #tpu.memory_space<hbm>> -> memref<1024xi32, #tpu.memory_space<hbm>>
        %dma_start3A_25 = tpu.memref_slice %arg3[%add3A_18] : memref<1605632xi32, #tpu.memory_space<hbm>> -> memref<1024xi32, #tpu.memory_space<hbm>>
        tpu.enqueue_dma source(%dma_start3A_25 : memref<1024xi32, #tpu.memory_space<hbm>>) target(%arg8 : memref<1024xi32, #tpu.memory_space<vmem>>) target_semaphore(%run_scoped3A : memref<!tpu.dma_semaphore, #tpu.memory_space<semaphore_mem>>)
        %dma_wait3A = tpu.memref_slice %arg3[%add3A_18] : memref<1605632xi32, #tpu.memory_space<hbm>> -> memref<1024xi32, #tpu.memory_space<hbm>>
        %dma_wait3A_26 = tpu.memref_slice %arg3[%add3A_18] : memref<1605632xi32, #tpu.memory_space<hbm>> -> memref<1024xi32, #tpu.memory_space<hbm>>
        tpu.wait_dma2 semaphore(%run_scoped3A : memref<!tpu.dma_semaphore, #tpu.memory_space<semaphore_mem>>) src(%dma_wait3A_26 : memref<1024xi32, #tpu.memory_space<hbm>>) dst(%arg8 : memref<1024xi32, #tpu.memory_space<vmem>>)
        tpu.yield
      }) : () -> ()
      "tpu.region"() ({
        %run_scoped3A = tpu.sem_alloc : memref<!tpu.dma_semaphore, #tpu.memory_space<semaphore_mem>>
        %dma_start3A = tpu.memref_slice %arg4[%add3A_18] : memref<1605632xi32, #tpu.memory_space<hbm>> -> memref<1024xi32, #tpu.memory_space<hbm>>
        %dma_start3A_25 = tpu.memref_slice %arg4[%add3A_18] : memref<1605632xi32, #tpu.memory_space<hbm>> -> memref<1024xi32, #tpu.memory_space<hbm>>
        tpu.enqueue_dma source(%dma_start3A_25 : memref<1024xi32, #tpu.memory_space<hbm>>) target(%arg9 : memref<1024xi32, #tpu.memory_space<vmem>>) target_semaphore(%run_scoped3A : memref<!tpu.dma_semaphore, #tpu.memory_space<semaphore_mem>>)
        %dma_wait3A = tpu.memref_slice %arg4[%add3A_18] : memref<1605632xi32, #tpu.memory_space<hbm>> -> memref<1024xi32, #tpu.memory_space<hbm>>
        %dma_wait3A_26 = tpu.memref_slice %arg4[%add3A_18] : memref<1605632xi32, #tpu.memory_space<hbm>> -> memref<1024xi32, #tpu.memory_space<hbm>>
        tpu.wait_dma2 semaphore(%run_scoped3A : memref<!tpu.dma_semaphore, #tpu.memory_space<semaphore_mem>>) src(%dma_wait3A_26 : memref<1024xi32, #tpu.memory_space<hbm>>) dst(%arg9 : memref<1024xi32, #tpu.memory_space<vmem>>)
        tpu.yield
      }) : () -> ()
      %scan3A_19 = arith.constant 0 : i32
      %scan3A_20 = arith.constant 0 : i32
      %scan3A_21 = arith.constant 64 : i32
      %scan3A_22 = arith.addi %scan3A_20, %scan3A_21 : i32
      %scan3A_23 = arith.constant 1 : i32
      scf.for %scan3A_25 = %scan3A_20 to %scan3A_22 step %scan3A_23  : i32 {
        %mul3A_26 = arith.constant 16 : i32
        %mul3A_27 = arith.muli %scan3A_25, %mul3A_26 : i32
        %get3A = arith.index_cast %mul3A_27 : i32 to index
        %get3A_28 = tpu.vector_load %arg8[%get3A] {strides = array<i32>} : memref<1024xi32, #tpu.memory_space<vmem>>, vector<16xi32>,
        %gather3A = tpu.vector_load_idx %arg6[%get3A_28] : memref<50176xf32, #tpu.memory_space<vmem>>[vector<16xi32>], vector<16xf32>,
        %mul3A_29 = arith.constant 16 : i32
        %mul3A_30 = arith.muli %scan3A_25, %mul3A_29 : i32
        %get3A_31 = arith.index_cast %mul3A_30 : i32 to index
        %get3A_32 = tpu.vector_load %arg9[%get3A_31] {strides = array<i32>} : memref<1024xi32, #tpu.memory_space<vmem>>, vector<16xi32>,
        tpu.vector_store_idx %arg7[%get3A_32], %gather3A {add = true} : memref<50176xf32, #tpu.memory_space<vmem>>[vector<16xi32>], vector<16xf32>,
      }
      %scan3A_24 = arith.constant 64 : i32
    }
    %scan3A_12 = arith.constant 49 : i32
    "tpu.region"() ({
      %run_scoped3A = tpu.sem_alloc : memref<!tpu.dma_semaphore, #tpu.memory_space<semaphore_mem>>
      %dma_start3A = arith.constant 0 : i32
      %dma_start3A_13 = tpu.memref_slice %arg5[%add3A, %dma_start3A] : memref<32x50176xf32, #tpu.memory_space<hbm>> -> memref<1x50176xf32, #tpu.memory_space<hbm>>
      %dma_start3A_14 = tpu.memref_squeeze %dma_start3A_13 : memref<1x50176xf32, #tpu.memory_space<hbm>> -> memref<50176xf32, #tpu.memory_space<hbm>>
      %dma_start3A_15 = arith.constant 0 : i32
      %dma_start3A_16 = tpu.memref_slice %arg5[%add3A, %dma_start3A_15] : memref<32x50176xf32, #tpu.memory_space<hbm>> -> memref<1x50176xf32, #tpu.memory_space<hbm>>
      %dma_start3A_17 = tpu.memref_squeeze %dma_start3A_16 : memref<1x50176xf32, #tpu.memory_space<hbm>> -> memref<50176xf32, #tpu.memory_space<hbm>>
      tpu.enqueue_dma source(%arg7 : memref<50176xf32, #tpu.memory_space<vmem>>) target(%dma_start3A_17 : memref<50176xf32, #tpu.memory_space<hbm>>) target_semaphore(%run_scoped3A : memref<!tpu.dma_semaphore, #tpu.memory_space<semaphore_mem>>)
      %dma_wait3A = arith.constant 0 : i32
      %dma_wait3A_18 = tpu.memref_slice %arg5[%add3A, %dma_wait3A] : memref<32x50176xf32, #tpu.memory_space<hbm>> -> memref<1x50176xf32, #tpu.memory_space<hbm>>
      %dma_wait3A_19 = tpu.memref_squeeze %dma_wait3A_18 : memref<1x50176xf32, #tpu.memory_space<hbm>> -> memref<50176xf32, #tpu.memory_space<hbm>>
      %dma_wait3A_20 = arith.constant 0 : i32
      %dma_wait3A_21 = tpu.memref_slice %arg5[%add3A, %dma_wait3A_20] : memref<32x50176xf32, #tpu.memory_space<hbm>> -> memref<1x50176xf32, #tpu.memory_space<hbm>>
      %dma_wait3A_22 = tpu.memref_squeeze %dma_wait3A_21 : memref<1x50176xf32, #tpu.memory_space<hbm>> -> memref<50176xf32, #tpu.memory_space<hbm>>
      tpu.wait_dma2 semaphore(%run_scoped3A : memref<!tpu.dma_semaphore, #tpu.memory_space<semaphore_mem>>) src(%arg7 : memref<50176xf32, #tpu.memory_space<vmem>>) dst(%dma_wait3A_22 : memref<50176xf32, #tpu.memory_space<hbm>>)
      tpu.yield
    }) : () -> ()
    return
  }
}

module attributes {stable_mosaic.version = 14 : i64} {
  func.func @_tc1_body(%arg0: i32, %arg1: memref<1024x32xf32, #tpu.memory_space<vmem>>, %arg2: memref<32x512xf32, #tpu.memory_space<vmem>>, %arg3: memref<512xf32, #tpu.memory_space<vmem>>, %arg4: memref<512x1024xf32, #tpu.memory_space<vmem>>, %arg5: memref<1024xf32, #tpu.memory_space<vmem>>, %arg6: memref<1024x32xf32, #tpu.memory_space<vmem>>) attributes {dimension_semantics = [#tpu.dimension_semantics<arbitrary>], iteration_bounds = array<i64: 49>, scalar_prefetch = 0 : i64, scratch_operands = 0 : i64, tpu.core_type = #tpu.core_type<tc>, window_params = [{transform_indices = @transform_0, window_bounds = array<i64: 1024, 32>}, {pipeline_mode = #tpu.pipeline_mode<synchronous>, transform_indices = @transform_1, window_bounds = array<i64: 32, 512>}, {pipeline_mode = #tpu.pipeline_mode<synchronous>, transform_indices = @transform_2, window_bounds = array<i64: 512>}, {pipeline_mode = #tpu.pipeline_mode<synchronous>, transform_indices = @transform_3, window_bounds = array<i64: 512, 1024>}, {pipeline_mode = #tpu.pipeline_mode<synchronous>, transform_indices = @transform_4, window_bounds = array<i64: 1024>}, {transform_indices = @transform_5, window_bounds = array<i64: 1024, 32>}]} {
    %get3A = arith.constant 0 : index
    %get3A_0 = arith.constant 0 : index
    %get3A_1 = vector.load %arg1[%get3A, %get3A_0] : memref<1024x32xf32, #tpu.memory_space<vmem>>, vector<1024x32xf32>
    %get3A_2 = arith.constant 0 : index
    %get3A_3 = arith.constant 0 : index
    %get3A_4 = vector.load %arg2[%get3A_2, %get3A_3] : memref<32x512xf32, #tpu.memory_space<vmem>>, vector<32x512xf32>
    %dot_general3A = arith.constant dense<0.000000e+00> : vector<1024x512xf32>
    %dot_general3A_5 = tpu.matmul %get3A_1, %get3A_4, %dot_general3A {dimension_numbers = #tpu.dot_dimension_numbers<[1], [0], [0], [1], [0, 0, 1, 1], [], []>, transpose_lhs_hint = false} : vector<1024x32xf32>, vector<32x512xf32>, vector<1024x512xf32> -> vector<1024x512xf32>
    %get3A_6 = arith.constant 0 : index
    %get3A_7 = vector.load %arg3[%get3A_6] : memref<512xf32, #tpu.memory_space<vmem>>, vector<512xf32>
    %broadcast_in_dim3A = vector.shape_cast %get3A_7 : vector<512xf32> to vector<1x512xf32>
    %add3A = vector.broadcast %broadcast_in_dim3A : vector<1x512xf32> to vector<1024x512xf32>
    %add3A_8 = arith.addf %dot_general3A_5, %add3A : vector<1024x512xf32>
    %max3A = arith.constant 0.000000e+00 : f32
    %max3A_9 = vector.broadcast %max3A : f32 to vector<1024x512xf32>
    %max3A_10 = arith.maximumf %add3A_8, %max3A_9 : vector<1024x512xf32>
    %get3A_11 = arith.constant 0 : index
    %get3A_12 = arith.constant 0 : index
    %get3A_13 = vector.load %arg4[%get3A_11, %get3A_12] : memref<512x1024xf32, #tpu.memory_space<vmem>>, vector<512x1024xf32>
    %dot_general3A_14 = arith.constant dense<0.000000e+00> : vector<1024x1024xf32>
    %dot_general3A_15 = tpu.matmul %max3A_10, %get3A_13, %dot_general3A_14 {dimension_numbers = #tpu.dot_dimension_numbers<[1], [0], [0], [1], [0, 0, 1, 1], [], []>, transpose_lhs_hint = false} : vector<1024x512xf32>, vector<512x1024xf32>, vector<1024x1024xf32> -> vector<1024x1024xf32>
    %get3A_16 = arith.constant 0 : index
    %get3A_17 = vector.load %arg5[%get3A_16] : memref<1024xf32, #tpu.memory_space<vmem>>, vector<1024xf32>
    %broadcast_in_dim3A_18 = vector.shape_cast %get3A_17 : vector<1024xf32> to vector<1x1024xf32>
    %add3A_19 = vector.broadcast %broadcast_in_dim3A_18 : vector<1x1024xf32> to vector<1024x1024xf32>
    %add3A_20 = arith.addf %dot_general3A_15, %add3A_19 : vector<1024x1024xf32>
    %max3A_21 = arith.constant 0.000000e+00 : f32
    %max3A_22 = vector.broadcast %max3A_21 : f32 to vector<1024x1024xf32>
    %max3A_23 = arith.maximumf %add3A_20, %max3A_22 : vector<1024x1024xf32>
    %reshape3A = vector.shape_cast %max3A_23 : vector<1024x1024xf32> to vector<1024x32x32xf32>
    %reduce_sum3A = arith.constant dense<0.000000e+00> : vector<1024x32xf32>
    %reduce_sum3A_24 = vector.multi_reduction <add>, %reshape3A, %reduce_sum3A [1] : vector<1024x32x32xf32> to vector<1024x32xf32>
    %div3A = arith.constant 3.200000e+01 : f32
    %div3A_25 = vector.broadcast %div3A : f32 to vector<1024x32xf32>
    %div3A_26 = arith.divf %reduce_sum3A_24, %div3A_25 : vector<1024x32xf32>
    %swap3A = arith.constant 0 : index
    %swap3A_27 = arith.constant 0 : index
    %swap3A_28 = vector.load %arg6[%swap3A, %swap3A_27] : memref<1024x32xf32, #tpu.memory_space<vmem>>, vector<1024x32xf32>
    tpu.vector_store %arg6[%swap3A, %swap3A_27], %div3A_26 {strides = array<i32>} : memref<1024x32xf32, #tpu.memory_space<vmem>>, vector<1024x32xf32>,
    return
  }
  func.func @transform_0(%arg0: i32) -> (i32, i32) {
    %c0_i32 = arith.constant 0 : i32
    %c0_i32_0 = arith.constant 0 : i32
    return %arg0, %c0_i32 : i32, i32
  }
  func.func @transform_1(%arg0: i32) -> (i32, i32) {
    %c0_i32 = arith.constant 0 : i32
    %c0_i32_0 = arith.constant 0 : i32
    %c0_i32_1 = arith.constant 0 : i32
    return %c0_i32, %c0_i32_0 : i32, i32
  }
  func.func @transform_2(%arg0: i32) -> i32 {
    %c0_i32 = arith.constant 0 : i32
    %c0_i32_0 = arith.constant 0 : i32
    return %c0_i32 : i32
  }
  func.func @transform_3(%arg0: i32) -> (i32, i32) {
    %c0_i32 = arith.constant 0 : i32
    %c0_i32_0 = arith.constant 0 : i32
    %c0_i32_1 = arith.constant 0 : i32
    return %c0_i32, %c0_i32_0 : i32, i32
  }
  func.func @transform_4(%arg0: i32) -> i32 {
    %c0_i32 = arith.constant 0 : i32
    %c0_i32_0 = arith.constant 0 : i32
    return %c0_i32 : i32
  }
  func.func @transform_5(%arg0: i32) -> (i32, i32) {
    %c0_i32 = arith.constant 0 : i32
    %c0_i32_0 = arith.constant 0 : i32
    return %arg0, %c0_i32 : i32, i32
  }
}

module attributes {stable_mosaic.version = 14 : i64} {
  func.func @_tc3_body(%arg0: i32, %arg1: memref<32x1024xf32, #tpu.memory_space<vmem>>, %arg2: memref<1024xf32, #tpu.memory_space<vmem>>, %arg3: memref<1024xf32, #tpu.memory_space<vmem>>, %arg4: memref<1024xf32, #tpu.memory_space<vmem>>) attributes {dimension_semantics = [#tpu.dimension_semantics<arbitrary>], iteration_bounds = array<i64: 49>, scalar_prefetch = 0 : i64, scratch_operands = 0 : i64, tpu.core_type = #tpu.core_type<tc>, window_params = [{transform_indices = @transform_0, window_bounds = array<i64: 32, 1024>}, {transform_indices = @transform_1, window_bounds = array<i64: 1024>}, {transform_indices = @transform_2, window_bounds = array<i64: 1024>}, {transform_indices = @transform_3, window_bounds = array<i64: 1024>}]} {
    %get3A = arith.constant 0 : index
    %get3A_0 = arith.constant 0 : index
    %get3A_1 = vector.load %arg1[%get3A, %get3A_0] : memref<32x1024xf32, #tpu.memory_space<vmem>>, vector<32x1024xf32>
    %reduce_sum3A = arith.constant dense<0.000000e+00> : vector<1024xf32>
    %reduce_sum3A_2 = vector.multi_reduction <add>, %get3A_1, %reduce_sum3A [0] : vector<32x1024xf32> to vector<1024xf32>
    %get3A_3 = arith.constant 0 : index
    %get3A_4 = vector.load %arg2[%get3A_3] : memref<1024xf32, #tpu.memory_space<vmem>>, vector<1024xf32>
    %mul3A = arith.mulf %reduce_sum3A_2, %get3A_4 : vector<1024xf32>
    %get3A_5 = arith.constant 0 : index
    %get3A_6 = vector.load %arg3[%get3A_5] : memref<1024xf32, #tpu.memory_space<vmem>>, vector<1024xf32>
    %add3A = arith.addf %mul3A, %get3A_6 : vector<1024xf32>
    %swap3A = arith.constant 0 : index
    %swap3A_7 = vector.load %arg4[%swap3A] : memref<1024xf32, #tpu.memory_space<vmem>>, vector<1024xf32>
    tpu.vector_store %arg4[%swap3A], %add3A {strides = array<i32>} : memref<1024xf32, #tpu.memory_space<vmem>>, vector<1024xf32>,
    return
  }
  func.func @transform_0(%arg0: i32) -> (i32, i32) {
    %c0_i32 = arith.constant 0 : i32
    %c0_i32_0 = arith.constant 0 : i32
    return %c0_i32, %arg0 : i32, i32
  }
  func.func @transform_1(%arg0: i32) -> i32 {
    %c0_i32 = arith.constant 0 : i32
    return %arg0 : i32
  }
  func.func @transform_2(%arg0: i32) -> i32 {
    %c0_i32 = arith.constant 0 : i32
    return %arg0 : i32
  }
  func.func @transform_3(%arg0: i32) -> i32 {
    %c0_i32 = arith.constant 0 : i32
    return %arg0 : i32
  }
}

module attributes {stable_mosaic.version = 14 : i64} {
  func.func @_tc2_body(%arg0: i32, %arg1: memref<2x1024x32xf32, #tpu.memory_space<vmem>>, %arg2: memref<32x1024xf32, #tpu.memory_space<vmem>>, %arg3: memref<1024x32xf32, #tpu.memory_space<vmem>>, %arg4: memref<64x32xf32, #tpu.memory_space<vmem>>, %arg5: memref<64xf32, #tpu.memory_space<vmem>>, %arg6: memref<64x32xf32, #tpu.memory_space<vmem>>, %arg7: memref<64xf32, #tpu.memory_space<vmem>>, %arg8: memref<64xf32, #tpu.memory_space<vmem>>, %arg9: memref<1xf32, #tpu.memory_space<smem>>, %arg10: memref<1024xf32, #tpu.memory_space<vmem>>, %arg11: memref<1024xf32, #tpu.memory_space<vmem>>, %arg12: memref<1024xf32, #tpu.memory_space<vmem>>) attributes {dimension_semantics = [#tpu.dimension_semantics<arbitrary>], iteration_bounds = array<i64: 49>, scalar_prefetch = 0 : i64, scratch_operands = 0 : i64, tpu.core_type = #tpu.core_type<tc>, window_params = [{transform_indices = @transform_0, window_bounds = array<i64: 2, 1024, 32>}, {transform_indices = @transform_1, window_bounds = array<i64: 32, 1024>}, {transform_indices = @transform_2, window_bounds = array<i64: 1024, 32>}, {pipeline_mode = #tpu.pipeline_mode<synchronous>, transform_indices = @transform_3, window_bounds = array<i64: 64, 32>}, {pipeline_mode = #tpu.pipeline_mode<synchronous>, transform_indices = @transform_4, window_bounds = array<i64: 64>}, {pipeline_mode = #tpu.pipeline_mode<synchronous>, transform_indices = @transform_5, window_bounds = array<i64: 64, 32>}, {pipeline_mode = #tpu.pipeline_mode<synchronous>, transform_indices = @transform_6, window_bounds = array<i64: 64>}, {pipeline_mode = #tpu.pipeline_mode<synchronous>, transform_indices = @transform_7, window_bounds = array<i64: 64>}, {transform_indices = @transform_8, window_bounds = array<i64: 1>}, {transform_indices = @transform_9, window_bounds = array<i64: 1024>}, {transform_indices = @transform_10, window_bounds = array<i64: 1024>}, {transform_indices = @transform_11, window_bounds = array<i64: 1024>}]} {
    %get3A = arith.constant 0 : index
    %get3A_0 = arith.constant 0 : index
    %get3A_1 = arith.constant 0 : index
    %get3A_2 = vector.load %arg1[%get3A, %get3A_0, %get3A_1] : memref<2x1024x32xf32, #tpu.memory_space<vmem>>, vector<1x1024x32xf32>
    %get3A_3 = vector.shape_cast %get3A_2 : vector<1x1024x32xf32> to vector<1024x32xf32>
    %get3A_4 = arith.constant 1 : index
    %get3A_5 = arith.constant 0 : index
    %get3A_6 = arith.constant 0 : index
    %get3A_7 = vector.load %arg1[%get3A_4, %get3A_5, %get3A_6] : memref<2x1024x32xf32, #tpu.memory_space<vmem>>, vector<1x1024x32xf32>
    %get3A_8 = vector.shape_cast %get3A_7 : vector<1x1024x32xf32> to vector<1024x32xf32>
    %add3A = arith.addf %get3A_3, %get3A_8 : vector<1024x32xf32>
    %get3A_9 = arith.constant 0 : index
    %get3A_10 = arith.constant 0 : index
    %get3A_11 = vector.load %arg2[%get3A_9, %get3A_10] : memref<32x1024xf32, #tpu.memory_space<vmem>>, vector<32x1024xf32>
    %reduce_sum3A = arith.constant dense<0.000000e+00> : vector<1024xf32>
    %reduce_sum3A_12 = vector.multi_reduction <add>, %get3A_11, %reduce_sum3A [0] : vector<32x1024xf32> to vector<1024xf32>
    %max3A = arith.constant 1.000000e+00 : f32
    %max3A_13 = vector.broadcast %max3A : f32 to vector<1024xf32>
    %max3A_14 = arith.maximumf %reduce_sum3A_12, %max3A_13 : vector<1024xf32>
    %broadcast_in_dim3A = vector.shape_cast %max3A_14 : vector<1024xf32> to vector<1024x1xf32>
    %div3A = vector.broadcast %broadcast_in_dim3A : vector<1024x1xf32> to vector<1024x32xf32>
    %div3A_15 = arith.divf %add3A, %div3A : vector<1024x32xf32>
    %get3A_16 = arith.constant 0 : index
    %get3A_17 = arith.constant 0 : index
    %get3A_18 = vector.load %arg4[%get3A_16, %get3A_17] : memref<64x32xf32, #tpu.memory_space<vmem>>, vector<64x32xf32>
    "tpu.trace_start"() <{level = 10 : i32, message = "bf,hf->bh"}> : () -> ()
    %dot_general3A = arith.constant dense<0.000000e+00> : vector<1024x64xf32>
    %dot_general3A_19 = tpu.matmul %div3A_15, %get3A_18, %dot_general3A {dimension_numbers = #tpu.dot_dimension_numbers<[1], [1], [0], [0], [0, 0, 1, 0], [], []>, transpose_lhs_hint = false} : vector<1024x32xf32>, vector<64x32xf32>, vector<1024x64xf32> -> vector<1024x64xf32>
    "tpu.trace_stop"() : () -> ()
    %get3A_20 = arith.constant 0 : index
    %get3A_21 = vector.load %arg5[%get3A_20] : memref<64xf32, #tpu.memory_space<vmem>>, vector<64xf32>
    %broadcast_in_dim3A_22 = vector.shape_cast %get3A_21 : vector<64xf32> to vector<1x64xf32>
    %add3A_23 = vector.broadcast %broadcast_in_dim3A_22 : vector<1x64xf32> to vector<1024x64xf32>
    %add3A_24 = arith.addf %dot_general3A_19, %add3A_23 : vector<1024x64xf32>
    %get3A_25 = arith.constant 0 : index
    %get3A_26 = arith.constant 0 : index
    %get3A_27 = vector.load %arg3[%get3A_25, %get3A_26] : memref<1024x32xf32, #tpu.memory_space<vmem>>, vector<1024x32xf32>
    %get3A_28 = arith.constant 0 : index
    %get3A_29 = arith.constant 0 : index
    %get3A_30 = vector.load %arg6[%get3A_28, %get3A_29] : memref<64x32xf32, #tpu.memory_space<vmem>>, vector<64x32xf32>
    "tpu.trace_start"() <{level = 10 : i32, message = "bf,hf->bh"}> : () -> ()
    %dot_general3A_31 = arith.constant dense<0.000000e+00> : vector<1024x64xf32>
    %dot_general3A_32 = tpu.matmul %get3A_27, %get3A_30, %dot_general3A_31 {dimension_numbers = #tpu.dot_dimension_numbers<[1], [1], [0], [0], [0, 0, 1, 0], [], []>, transpose_lhs_hint = false} : vector<1024x32xf32>, vector<64x32xf32>, vector<1024x64xf32> -> vector<1024x64xf32>
    "tpu.trace_stop"() : () -> ()
    %add3A_33 = arith.addf %add3A_24, %dot_general3A_32 : vector<1024x64xf32>
    %max3A_34 = arith.constant 0.000000e+00 : f32
    %max3A_35 = vector.broadcast %max3A_34 : f32 to vector<1024x64xf32>
    %max3A_36 = arith.maximumf %add3A_33, %max3A_35 : vector<1024x64xf32>
    %get3A_37 = arith.constant 0 : index
    %get3A_38 = vector.load %arg7[%get3A_37] : memref<64xf32, #tpu.memory_space<vmem>>, vector<64xf32>
    %broadcast_in_dim3A_39 = vector.shape_cast %get3A_38 : vector<64xf32> to vector<1x64xf32>
    %mul3A = vector.broadcast %broadcast_in_dim3A_39 : vector<1x64xf32> to vector<1024x64xf32>
    %mul3A_40 = arith.mulf %max3A_36, %mul3A : vector<1024x64xf32>
    %reduce_sum3A_41 = arith.constant dense<0.000000e+00> : vector<1024xf32>
    %reduce_sum3A_42 = vector.multi_reduction <add>, %mul3A_40, %reduce_sum3A_41 [1] : vector<1024x64xf32> to vector<1024xf32>
    %swap3A = arith.constant 0 : index
    %swap3A_43 = vector.load %arg10[%swap3A] : memref<1024xf32, #tpu.memory_space<vmem>>, vector<1024xf32>
    tpu.vector_store %arg10[%swap3A], %reduce_sum3A_42 {strides = array<i32>} : memref<1024xf32, #tpu.memory_space<vmem>>, vector<1024xf32>,
    %get3A_44 = arith.constant 0 : index
    %get3A_45 = vector.load %arg8[%get3A_44] : memref<64xf32, #tpu.memory_space<vmem>>, vector<64xf32>
    %broadcast_in_dim3A_46 = vector.shape_cast %get3A_45 : vector<64xf32> to vector<1x64xf32>
    %mul3A_47 = vector.broadcast %broadcast_in_dim3A_46 : vector<1x64xf32> to vector<1024x64xf32>
    %mul3A_48 = arith.mulf %max3A_36, %mul3A_47 : vector<1024x64xf32>
    %reduce_sum3A_49 = arith.constant dense<0.000000e+00> : vector<1024xf32>
    %reduce_sum3A_50 = vector.multi_reduction <add>, %mul3A_48, %reduce_sum3A_49 [1] : vector<1024x64xf32> to vector<1024xf32>
    %get3A_51 = arith.constant 0 : index
    %get3A_52 = memref.load %arg9[%get3A_51] : memref<1xf32, #tpu.memory_space<smem>>
    %add3A_53 = vector.broadcast %get3A_52 : f32 to vector<1024xf32>
    %add3A_54 = arith.addf %reduce_sum3A_50, %add3A_53 : vector<1024xf32>
    %swap3A_55 = arith.constant 0 : index
    %swap3A_56 = vector.load %arg11[%swap3A_55] : memref<1024xf32, #tpu.memory_space<vmem>>, vector<1024xf32>
    tpu.vector_store %arg11[%swap3A_55], %add3A_54 {strides = array<i32>} : memref<1024xf32, #tpu.memory_space<vmem>>, vector<1024xf32>,
    %div3A_57 = arith.constant 1.000000e+00 : f32
    %div3A_58 = vector.broadcast %div3A_57 : f32 to vector<1024xf32>
    %div3A_59 = arith.divf %div3A_58, %max3A_14 : vector<1024xf32>
    %swap3A_60 = arith.constant 0 : index
    %swap3A_61 = vector.load %arg12[%swap3A_60] : memref<1024xf32, #tpu.memory_space<vmem>>, vector<1024xf32>
    tpu.vector_store %arg12[%swap3A_60], %div3A_59 {strides = array<i32>} : memref<1024xf32, #tpu.memory_space<vmem>>, vector<1024xf32>,
    return
  }
  func.func @transform_0(%arg0: i32) -> (i32, i32, i32) {
    %c0_i32 = arith.constant 0 : i32
    %c0_i32_0 = arith.constant 0 : i32
    %c0_i32_1 = arith.constant 0 : i32
    return %c0_i32, %arg0, %c0_i32_0 : i32, i32, i32
  }
  func.func @transform_1(%arg0: i32) -> (i32, i32) {
    %c0_i32 = arith.constant 0 : i32
    %c0_i32_0 = arith.constant 0 : i32
    return %c0_i32, %arg0 : i32, i32
  }
  func.func @transform_2(%arg0: i32) -> (i32, i32) {
    %c0_i32 = arith.constant 0 : i32
    %c0_i32_0 = arith.constant 0 : i32
    return %arg0, %c0_i32 : i32, i32
  }
  func.func @transform_3(%arg0: i32) -> (i32, i32) {
    %c0_i32 = arith.constant 0 : i32
    %c0_i32_0 = arith.constant 0 : i32
    %c0_i32_1 = arith.constant 0 : i32
    return %c0_i32, %c0_i32_0 : i32, i32
  }
  func.func @transform_4(%arg0: i32) -> i32 {
    %c0_i32 = arith.constant 0 : i32
    %c0_i32_0 = arith.constant 0 : i32
    return %c0_i32 : i32
  }
  func.func @transform_5(%arg0: i32) -> (i32, i32) {
    %c0_i32 = arith.constant 0 : i32
    %c0_i32_0 = arith.constant 0 : i32
    %c0_i32_1 = arith.constant 0 : i32
    return %c0_i32, %c0_i32_0 : i32, i32
  }
  func.func @transform_6(%arg0: i32) -> i32 {
    %c0_i32 = arith.constant 0 : i32
    %c0_i32_0 = arith.constant 0 : i32
    return %c0_i32 : i32
  }
  func.func @transform_7(%arg0: i32) -> i32 {
    %c0_i32 = arith.constant 0 : i32
    %c0_i32_0 = arith.constant 0 : i32
    return %c0_i32 : i32
  }
  func.func @transform_8(%arg0: i32) -> i32 {
    %c0_i32 = arith.constant 0 : i32
    %c0_i32_0 = arith.constant 0 : i32
    return %c0_i32 : i32
  }
  func.func @transform_9(%arg0: i32) -> i32 {
    %c0_i32 = arith.constant 0 : i32
    return %arg0 : i32
  }
  func.func @transform_10(%arg0: i32) -> i32 {
    %c0_i32 = arith.constant 0 : i32
    return %arg0 : i32
  }
  func.func @transform_11(%arg0: i32) -> i32 {
    %c0_i32 = arith.constant 0 : i32
    return %arg0 : i32
  }
}

</mosaic_0001>

<sc_bundles>
// kernel: kernel.11.cloned.1.call-start
scs
__scs_entry_jumppad:
0x0: {  	(pc) =	sbr.rel $0x88, $3  }
0x1: {  	(tag) =	ssettag $0x0;
	lr =	simm.s32 $0x1  }
0x2: {  	[smem:$0x3F93] =	sst lr;
	_ =	strace $0xD0000000  }
0x3: {  	_ = 	snop  }
0x4: {  	_ = 	snop  }
0x5: {  	_ = 	snop  }
0x6: {  	_ = 	snop  }
0x7: {  	_ = 	snop  }
__scs_overlays_trampoline_lowered:
0x8: {  	[smem:$0x3FA2] =	sst s0  }
0x9: {  	[smem:$0x3FA3] =	sst s1  }
0xa: {  	[smem:$0x3FA4] =	sst s2  }
0xb: {  	[smem:$0x3FA5] =	sst s3  }
0xc: {  	[smem:$0x3FA6] =	sst s4  }
0xd: {  	[smem:$0x3FA7] =	sst s5  }
0xe: {  	[smem:$0x3FA8] =	sst s6  }
0xf: {  	[smem:$0x3FA9] =	sst s7  }
0x10: {  	[smem:$0x3FAA] =	sst s8  }
0x11: {  	[smem:$0x3FAB] =	sst s9;
	s0 =	simm.s32 @!p0 $0x0  }
0x12: {  	s1 =	sld [smem:$0x3F91];
	s0 =	simm.s32 @p0 $0x1  }
0x13: {  	[smem:$0x3FAC] =	sst s0;
	s0 =	simm.s32 @!p1 $0x0  }
0x14: {  	s2 =	sld [smem:$0x3F90];
	s0 =	simm.s32 @p1 $0x1  }
0x15: {  	[smem:$0x3FAD] =	sst s0;
	s0 =	simm.s32 @!p2 $0x0  }
0x16: {  	s3 =	sld [smem:$0x3FDB];
	s0 =	simm.s32 @p2 $0x1  }
0x17: {  	s4 =	simm.s32 $0x1BF5;
	[smem:$0x3FAF] =	sst s0  }
0x18: {  	s0 =	sld [smem:$0x3F92];
	_ =	swait.ge [sflag:s4], $0x0  }
0x19: {  	s7 =	sld [smem:$0x3F93]  }
0x1a: {  	s8 =	sadd.s32 $0xFFFFE003, lr  }
0x1b: {  	s9 =	sadd.s32 $0xFFFFFEF7, lr;
	s5 =	simm.s32 $0xFFFFFFFF;
	p2 =	slt.u32 s8, $0xFFFFF086  }
0x1c: {  	p1 =	slt.u32 s9, $0xF7A;
	s5 =	simm.s32 @!p2 $0x0  }
0x1d: {  	s5 =	simm.s32 @p1 $0x1;
	p0 =	seq.s32 s7, s2  }
0x1e: {  	s7 =	smul.u32 @!p0 $0xF7A, s2;
	p2 =	seq.s32 @!p0 s5, $0x0  }
0x1f: {  	s9 =	smul.u32 $0xF7A, s1;
	s8 =	simm.s32 @!p0 $0x1BF5;
	p2 =	por !p2, p0  }
0x20: {  	[sflag:s8] =	ssyncset.s32 @!p0 $0xFFFFF086;
	s6 =	sadd.s32 @!p0 s3, s7;
	s7 =	simm.s32 @!p0 $0x108  }
0x21: {  	s3 =	sadd.s32 s3, s9;
	s6 =	sadd.s32 @!p0 $0x88, s6;
	s7 =	simm.s32 @p2 $0x1082  }
0x22: {  	[simem:s7], [sflag:s8] =	dma.local @!p0 [hbm:s6], $0xF7A  }
0x23: {  	s9 =	sor.u32 $0xD0000000, s2;
	s6 =	simm.s32 $0x108;
	_ =	swait.ge @!p0 [sflag:s8], $0x0  }
0x24: {  	s3 =	sadd.s32 $0x88, s3;
	s6 =	simm.s32 @!p1 $0x1082;
	[sflag:s4] =	ssyncset.s32 $0xFFFFF086  }
0x25: {  	[simem:s6], [sflag:s4] =	dma.local [hbm:s3], $0xF7A  }
0x26: {  	[smem:$0x3F93] =	sst s1;
	(tag) =	ssettag s2;
	_ =	strace s9  }
0x27: {  	s1 =	sld [smem:$0x3FA3]  }
0x28: {  	s2 =	sld [smem:$0x3FA4]  }
0x29: {  	s4 =	sld [smem:$0x3FA6]  }
0x2a: {  	p0 =	seq.s32 s5, $0x0;
	s5 =	sld [smem:$0x3FA7]  }
0x2b: {  	s6 =	sld [smem:$0x3FA8]  }
0x2c: {  	s7 =	sld [smem:$0x3FA9]  }
0x2d: {  	s3 =	simm.s32 $0x108;
	s8 =	sld [smem:$0x3FAA]  }
0x2e: {  	s3 =	simm.s32 @!p0 $0x1082;
	s9 =	sld [smem:$0x3FAB]  }
0x2f: {  	lr =	sadd.s32 s0, s3;
	s0 =	sld [smem:$0x3FA2]  }
0x30: {  	s3 =	sld [smem:$0x3FA5]  }
0x31: {  	[smem:$0x3FAE] =	sst s10  }
0x32: {  	s10 =	sld [smem:$0x3FAC];
	_ =	sdelay $0x3  }
0x33: {  	p0 =	seq.s32 s10, $0x1;
	s10 =	sld [smem:$0x3FAE];
	_ =	sdelay $0x3  }
0x34: {  	[smem:$0x3FAE] =	sst s10  }
0x35: {  	s10 =	sld [smem:$0x3FAD];
	_ =	sdelay $0x3  }
0x36: {  	p1 =	seq.s32 s10, $0x1;
	s10 =	sld [smem:$0x3FAE];
	_ =	sdelay $0x3  }
0x37: {  	[smem:$0x3FAE] =	sst s10  }
0x38: {  	s10 =	sld [smem:$0x3FAF]  }
0x39: {  	_ = 	snop;
	(pc) =	sbr.ind lr, $3  }
0x3a: {  	_ = 	snop  }
0x3b: {  	_ = 	snop  }
0x3c: {  	p2 =	seq.s32 s10, $0x1;
	s10 =	sld [smem:$0x3FAE]  }
0x3d: {  	_ =	shalt  }
0x3e: {  	_ =	shalt  }
0x3f: {  	_ =	shalt  }
0x40: {  	_ =	shalt  }
0x41: {  	_ =	shalt  }
0x42: {  	_ =	shalt  }
0x43: {  	_ =	shalt  }
0x44: {  	_ =	shalt  }
0x45: {  	_ =	shalt  }
0x46: {  	_ =	shalt  }
0x47: {  	_ =	shalt  }
0x48: {  	_ =	shalt  }
0x49: {  	_ =	shalt  }
0x4a: {  	_ =	shalt  }
0x4b: {  	_ =	shalt  }
0x4c: {  	_ =	shalt  }
0x4d: {  	_ =	shalt  }
0x4e: {  	_ =	shalt  }
0x4f: {  	_ =	shalt  }
0x50: {  	_ =	shalt  }
0x51: {  	_ =	shalt  }
0x52: {  	_ =	shalt  }
0x53: {  	_ =	shalt  }
0x54: {  	_ =	shalt  }
0x55: {  	_ =	shalt  }
0x56: {  	_ =	shalt  }
0x57: {  	_ =	shalt  }
0x58: {  	_ =	shalt  }
0x59: {  	_ =	shalt  }
0x5a: {  	_ =	shalt  }
0x5b: {  	_ =	shalt  }
0x5c: {  	_ =	shalt  }
0x5d: {  	_ =	shalt  }
0x5e: {  	_ =	shalt  }
0x5f: {  	_ =	shalt  }
0x60: {  	_ =	shalt  }
0x61: {  	_ =	shalt  }
0x62: {  	_ =	shalt  }
0x63: {  	_ =	shalt  }
0x64: {  	_ =	shalt  }
0x65: {  	_ =	shalt  }
0x66: {  	_ =	shalt  }
0x67: {  	_ =	shalt  }
0x68: {  	_ =	shalt  }
0x69: {  	_ =	shalt  }
0x6a: {  	_ =	shalt  }
0x6b: {  	_ =	shalt  }
0x6c: {  	_ =	shalt  }
0x6d: {  	_ =	shalt  }
0x6e: {  	_ =	shalt  }
0x6f: {  	_ =	shalt  }
0x70: {  	_ =	shalt  }
0x71: {  	_ =	shalt  }
0x72: {  	_ =	shalt  }
0x73: {  	_ =	shalt  }
0x74: {  	_ =	shalt  }
0x75: {  	_ =	shalt  }
0x76: {  	_ =	shalt  }
0x77: {  	_ =	shalt  }
0x78: {  	_ =	shalt  }
0x79: {  	_ =	shalt  }
0x7a: {  	_ =	shalt  }
0x7b: {  	_ =	shalt  }
0x7c: {  	_ =	shalt  }
0x7d: {  	_ =	shalt  }
0x7e: {  	_ =	shalt  }
0x7f: {  	_ =	shalt  }
0x80: {  	_ =	shalt  }
0x81: {  	_ =	shalt  }
0x82: {  	_ =	shalt  }
0x83: {  	_ =	shalt  }
0x84: {  	_ =	shalt  }
0x85: {  	_ =	shalt  }
0x86: {  	_ =	shalt  }
0x87: {  	_ =	shalt  }
.Lfunc_end0:
.L_simem_size_0:
called_computation.1_lowered:
.L_overlay_start_0:
0x88: {  	s2 =	sld [smem:$0x3FD9]  }
0x89: {  	s3 =	sld [smem:$0x3FFE];
	_ =	sdelay $0x1  }
0x8a: {  	s1 =	srdreg.scid  }
0x8b: {  	s0 =	sand.u32 $0x1, s1  }
0x8c: {  	s16 =	sshll.u32 s0, $0xA;
	s2 =	sadd.s32 s3, s2  }
0x8d: {  	s2 =	sadd.s32 s2, s16  }
0x8e: {  	[smem:$0x3FBA] =	sst s2  }
0x8f: {  	_ = 	snop  }
0x90: {  	(tm) =	ssettm $0x1  }
0x91: {  	s17 =	sld [smem:$0x3FFB];
	_ =	sdelay $0x3  }
0x92: {  	_ =	strace s17  }
0x93: {  	s2 =	sld [smem:$0x3FFC];
	_ =	sdelay $0x3  }
0x94: {  	_ =	strace s2  }
0x95: {  	s2 =	sld [smem:$0x3FFD];
	_ =	sdelay $0x3  }
0x96: {  	_ =	strace s2  }
0x97: {  	_ =	strace $0x8FFFFFFF  }
0x98: {  	s18 =	sld [smem:$0x3FDB];
	_ =	sdelay $0x1  }
0x99: {  	s19 =	simm.s32 $_scs_section_size  }
0x9a: {  	s4 =	simm.s32 $_size__tile_overlayer_lowered;
	s5 =	simm.s32 $_tile_overlayer_lowered  }
0x9b: {  	s22 =	simm.s32 $0x1BFF;
	s21 =	sshll.u32 s5, $0x1;
	s2 =	sadd.s32 s19, s18  }
0x9c: {  	s6 =	simm.s32 $0x0;
	s20 =	sshll.u32 s4, $0x1;
	s4 =	sadd.s32 s21, s2  }
0x9d: {  	[timem:s6], [sflag:s22] =	dma.local [hbm:s4], s20  }
0x9e: {  	_ =	swait.ge [sflag:s22], s20  }
0x9f: {  	s3 =	ssub.s32 $0x0, s20;
	[sflag:s22] =	ssyncset.done $0x0  }
0xa0: {  	[sflag:s22] =	ssyncadd.s32 s3;
	_ =	sdelay $0x1  }
0xa1: {  	s23 =	simm.s32 $0x1B8B  }
0xa2: {  	_ =	swait.ge [sflag:s23], $0x1  }
0xa3: {  	[sflag:s23] =	ssyncset.done $0x0  }
0xa4: {  	s25 =	simm.s32 $0x1B8E;
	s24 =	sld [smem:$0x3FFE];
	[sflag:s23] =	ssyncadd.s32 $0xFFFFFFFF  }
0xa5: {  	s26 =	simm.s32 $execute0_lowered;
	[smem:$0x3FD2] =	sst s25  }
0xa6: {  	s4 =	sshll.u32 s26, $0x1;
	_ =	strace $0x80000046;
	[dreg:$0x1] =	wrdreg $0xFFFFFFFF  }
0xa7: {  	s28 =	simm.s32 $_size_execute0_lowered;
	s2 =	sadd.s32 s2, s4;
	[dreg:$0x0] =	wrdreg $0x0  }
0xa8: {  	s4 =	sshll.u32 s28, $0x1;
	[dreg:$0x2] =	wrdreg s2  }
0xa9: {  	[dreg:$0x3] =	wrdreg s4  }
0xaa: {  	[dreg:$0x4] =	wrdreg $0xC0  }
0xab: {  	_ =	task [dreg:s6], $0x5FFFF  }
0xac: {  	[dreg:$0x1] =	wrdreg $0xFFFFFFFF  }
0xad: {  	[dreg:$0x0] =	wrdreg $0x60  }
0xae: {  	[dreg:$0x2] =	wrdreg s24  }
0xaf: {  	[dreg:$0x3] =	wrdreg $0x68200  }
0xb0: {  	[dreg:$0x4] =	wrdreg $0xA  }
0xb1: {  	_ =	task.clear_ibuf [dreg:s6], $0x5FFFF;
	_ =	strace $0x90000046  }
0xb2: {  	s29 =	simm.s32 $0xA;
	_ =	strace $0x80000048  }
0xb3: {  	_ =	swait.ge [sflag:s29], $0x1  }
0xb4: {  	[sflag:s29] =	ssyncadd.s32 $0xFFFFFFFF  }
0xb5: {  	_ =	strace $0x90000048  }
0xb6: {  	_ =	sfence  }
0xb7: {  	s30 =	sld [smem:$0x0];
	_ =	sdelay $0x2  }
0xb8: {  	s31 =	sshll.u32 s1, $0xD;
	s1 =	sshrl.u32 s1, $0x2  }
0xb9: {  	s3 =	sand.u32 $0x4000, s31;
	s1 =	sadd.s32 s1, s30  }
0xba: {  	s0 =	sor.u32 s3, s0;
	s1 =	sshll.u32 s1, $0x11  }
0xbb: {  	s0 =	sor.u32 s1, s0  }
0xbc: {  	s0 =	sadd.s32 $0x8F2B, s0  }
0xbd: {  	[sflag:s0] =	ssyncadd.remote.s32 $0x1  }
0xbe: {  	_ =	sfence.sel $0xFFFF  }
0xbf: {  	[dreg:$0x0] =	wrdreg $0xFFFFFFFF;
	(pc) =	sbr.abs _section_cstart, $3  }
0xc0: {  	[dreg:$0x1] =	wrdreg $0xFFFFFFFF  }
0xc1: {  	_ =	task.clear_ibuf [dreg:s6], $0x2FFFF;
	_ =	strace $0x9FFFFFFF  }
0xc2: {  	(tm) =	ssettm $0x7FFFFFFF  }
0xc3: {  	_ =	shalt  }
tec
execute0_lowered:
.L_overlay_start_1:
0x0: {  	(tag) =	ssettag $0x1  }
0x1: {  	s0 =	rddreg [dreg:$0x0]  }
0x2: {  	s2 =	rddreg [dreg:$0x1];
	s1 =	srdreg.scid  }
0x3: {  	s10 =	stileid.u32;
	s3 =	simm.s32 $0x0;
	s19 =	simm.s32 $0x5  }
0x4: {  	s20 =	simm.s32 $0x6200;
	s21 =	simm.s32 $0x6388;
	s28 =	simm.s32 $0x2  }
0x5: {  	s29 =	simm.s32 $0x3;
	s30 =	simm.s32 $0x4;
	s5 =	smul.u32 $0x18800, s10  }
0x6: {  	s31 =	simm.s32 $0x0;
	s1 =	sand.u32 $0x1, s1;
	s8 =	smul.u32 $0x62000, s10  }
0x7: {  	[smem:$0x7FF] =	sst s3;
	s4 =	sadd.s32 $0x2A00, s0;
	s13 =	smul.u32 $0xC400, s10  }
0x8: {  	s18 =	sadd.s32 $0x64A00, s0;
	s17 =	sadd.s32 $0x33A00, s0;
	s6 =	smul.u32 $0x188000, s1  }
0x9: {  	_ =	strace $0x80000047;
	s7 =	ssub.s32 $0x2, s1;
	s1 =	smul.u32 $0xC4000, s1  }
0xa: {  	s9 =	sshrl.u32 s7, $0x1;
	s23 =	sshrl.u32 s8, $0x2;
	s6 =	sadd.s32 s5, s6  }
0xb: {  	s22 =	ssub.s32 s7, s9;
	s5 =	sadd.s32 s5, s2;
	s12 =	sadd.s32 s23, s2  }
0xc: {  	s1 =	sadd.s32 s13, s1;
	s23 =	simm.s32 $0x6510;
	s6 =	sshrl.u32 s6, $0x3  }
0xd: {  	s7 =	sadd.s32 $0x3100, s12;
	s24 =	sadd.s32 $0x6200, s12;
	s25 =	sadd.s32 $0x9300, s12  }
0xe: {  	s9 =	sadd.s32 $0xC400, s12;
	s10 =	sadd.s32 $0xF500, s12;
	s11 =	sadd.s32 $0x12600, s12  }
0xf: {  	s12 =	sadd.s32 $0x15700, s12;
	s26 =	sshrl.u32 s1, $0x3;
	[dreg:$0x3] =	wrdreg s7  }
0x10: {  	s1 =	sor.u32 $0x188, s1;
	s14 =	smax.u32 s22, $0x1;
	[dreg:$0x4] =	wrdreg s24  }
0x11: {  	s22 =	simm.s32 $0x188;
	s0 =	sadd.s32 s6, s0;
	[dreg:$0x5] =	wrdreg s25  }
0x12: {  	s15 =	sadd.s32 s26, s17;
	s1 =	sshrl.u32 s1, $0x3;
	s16 =	sadd.s32 s26, s18  }
0x13: {  	s24 =	simm.s32 $0x6698;
	s25 =	simm.s32 $0x3100;
	s26 =	simm.s32 $0x1  }
0x14: {  	v0 =	vimm.f32 $0.0e+00;
	s13 =	sadd.s32 $0x18AA00, s0;
	s17 =	sadd.s32 s1, s17;
	s18 =	sadd.s32 s1, s18  }
.LBB2_1:
0x15: {  	s0 =	simm.s32 $0x80;
	s1 =	simm.s32 $0x0  }
.LBB2_2:
0x16: {  	p0 =	sne.s32 s0, $0xC380;
	[tilespmem:s1+$0x0] =	vst v0;
	s6 =	smov.u32 s0;
	s0 =	sadd.s32 $0x80, s0  }
.Ltmp0:
0x17: {  	[tilespmem:s1+$0x10] =	vst v0;
	(pc) =	sbr.rel @p0 .LBB2_2-.Ltmp0, $2  }
0x18: {  	_ =	sdelay $0x2  }
0x19: {  	s1 =	sshra.s32 s6, $0x2  }
0x1a: {  	[tilespmem:s1+$0x0] =	vst v0  }
0x1b: {  	[tilespmem:s1+$0x10] =	vst v0;
	s0 =	simm.s32 $0x0  }
0x1c: {  	[spmem:s5] =	stream.linear.scatter [tilespmem:s0], [sflag:$0x5], $0x3100, $0x38;
	[tilespmem:$0x1F020] =	vst v63  }
0x1d: {  	_ =	swait.ge [sflag:s19], $0x3100  }
0x1e: {  	[sflag:s19] =	ssyncset.done $0x0  }
0x1f: {  	s6 =	rddreg [dreg:$0x3];
	[sflag:s19] =	ssyncadd.s32 $0xFFFFCF00  }
0x20: {  	[spmem:s6] =	stream.linear.scatter [tilespmem:s0], [sflag:$0x5], $0x3100, $0x38;
	[tilespmem:$0x1F020] =	vst v63  }
0x21: {  	_ =	swait.ge [sflag:s19], $0x3100  }
0x22: {  	[sflag:s19] =	ssyncset.done $0x0  }
0x23: {  	s7 =	rddreg [dreg:$0x4];
	[sflag:s19] =	ssyncadd.s32 $0xFFFFCF00  }
0x24: {  	[spmem:s7] =	stream.linear.scatter [tilespmem:s0], [sflag:$0x5], $0x3100, $0x38;
	[tilespmem:$0x1F020] =	vst v63  }
0x25: {  	_ =	swait.ge [sflag:s19], $0x3100  }
0x26: {  	[sflag:s19] =	ssyncset.done $0x0  }
0x27: {  	s8 =	rddreg [dreg:$0x5];
	[sflag:s19] =	ssyncadd.s32 $0xFFFFCF00  }
0x28: {  	[spmem:s8] =	stream.linear.scatter [tilespmem:s0], [sflag:$0x5], $0x3100, $0x38;
	[tilespmem:$0x1F020] =	vst v63  }
0x29: {  	_ =	swait.ge [sflag:s19], $0x3100  }
0x2a: {  	[sflag:s19] =	ssyncset.done $0x0  }
0x2b: {  	[sflag:s19] =	ssyncadd.s32 $0xFFFFCF00  }
0x2c: {  	[spmem:s9] =	stream.linear.scatter [tilespmem:s0], [sflag:$0x5], $0x3100, $0x38;
	[tilespmem:$0x1F020] =	vst v63  }
0x2d: {  	_ =	swait.ge [sflag:s19], $0x3100  }
0x2e: {  	[sflag:s19] =	ssyncset.done $0x0  }
0x2f: {  	[sflag:s19] =	ssyncadd.s32 $0xFFFFCF00  }
0x30: {  	[spmem:s10] =	stream.linear.scatter [tilespmem:s0], [sflag:$0x5], $0x3100, $0x38;
	[tilespmem:$0x1F020] =	vst v63  }
0x31: {  	_ =	swait.ge [sflag:s19], $0x3100  }
0x32: {  	[sflag:s19] =	ssyncset.done $0x0  }
0x33: {  	[sflag:s19] =	ssyncadd.s32 $0xFFFFCF00  }
0x34: {  	[spmem:s11] =	stream.linear.scatter [tilespmem:s0], [sflag:$0x5], $0x3100, $0x38;
	[tilespmem:$0x1F020] =	vst v63  }
0x35: {  	_ =	swait.ge [sflag:s19], $0x3100  }
0x36: {  	[sflag:s19] =	ssyncset.done $0x0  }
0x37: {  	[sflag:s19] =	ssyncadd.s32 $0xFFFFCF00  }
0x38: {  	[spmem:s12] =	stream.linear.scatter [tilespmem:s0], [sflag:$0x5], $0x3100, $0x38;
	[tilespmem:$0x1F020] =	vst v63  }
0x39: {  	_ =	swait.ge [sflag:s19], $0x3100  }
0x3a: {  	[sflag:s19] =	ssyncset.done $0x0  }
0x3b: {  	[sflag:s19] =	ssyncadd.s32 $0xFFFFCF00  }
0x3c: {  	s1 =	sadd.s32 $0x0, s16;
	[bflag:$0x0] =	sbarrier.arrive $0xFFFF  }
0x3d: {  	[tilespmem:s20], [sflag:$0x5] =	stream.linear.gather [hbm4b:s1+s3], $0x188, $0x38;
	[tilespmem:$0x1F020] =	vst v63  }
0x3e: {  	_ =	swait.ge [sflag:s19], $0x188  }
0x3f: {  	[sflag:s19] =	ssyncset.done $0x0  }
0x40: {  	s6 =	sadd.s32 $0x0, s15;
	[sflag:s19] =	ssyncadd.s32 $0xFFFFFE78  }
0x41: {  	[tilespmem:s21], [sflag:$0x5] =	stream.linear.gather [hbm4b:s6+s3], $0x188, $0x38;
	[tilespmem:$0x1F020] =	vst v63  }
0x42: {  	_ =	swait.ge [sflag:s19], $0x188  }
0x43: {  	[sflag:s19] =	ssyncset.done $0x0  }
0x44: {  	[sflag:s19] =	ssyncadd.s32 $0xFFFFFE78  }
0x45: {  	[tilespmem:s3], [sflag:$0x1] =	stream.indirect.gather [hbm4b:s4+s22], $0x20, s20, s22, $0xb8;
	[tilespmem:$0x1F020] =	vst v63  }
0x46: {  	s7 =	sadd.s32 $0x0, s18  }
0x47: {  	[tilespmem:s23], [sflag:$0x5] =	stream.linear.gather [hbm4b:s7+s3], $0x188, $0x38;
	[tilespmem:$0x1F020] =	vst v63  }
0x48: {  	_ =	swait.ge [sflag:s19], $0x188  }
0x49: {  	[sflag:s19] =	ssyncset.done $0x0  }
0x4a: {  	s8 =	sadd.s32 $0x0, s17;
	[sflag:s19] =	ssyncadd.s32 $0xFFFFFE78  }
0x4b: {  	[tilespmem:s24], [sflag:$0x5] =	stream.linear.gather [hbm4b:s8+s3], $0x188, $0x38;
	[tilespmem:$0x1F020] =	vst v63  }
0x4c: {  	_ =	swait.ge [sflag:s19], $0x188  }
0x4d: {  	[sflag:s19] =	ssyncset.done $0x0  }
0x4e: {  	[sflag:s19] =	ssyncadd.s32 $0xFFFFFE78  }
0x4f: {  	[tilespmem:s25], [sflag:$0x2] =	stream.indirect.gather [hbm4b:s4+s22], $0x20, s23, s22, $0xb8;
	[tilespmem:$0x1F020] =	vst v63  }
0x50: {  	_ =	swait.ge [sflag:s26], $0x3100  }
0x51: {  	[sflag:s26] =	ssyncset.done $0x0  }
0x52: {  	[sflag:s26] =	ssyncadd.s32 $0xFFFFCF00  }
0x53: {  	[spmem:s2] =	stream.indirect.scatter.add.f32 [tilespmem:s3], [sflag:$0x3], $0x20, s21, s22, $0xb8;
	[tilespmem:$0x1F020] =	vst v63  }
0x54: {  	_ =	swait.ge [sflag:s28], $0x3100  }
0x55: {  	[sflag:s28] =	ssyncset.done $0x0  }
0x56: {  	[sflag:s28] =	ssyncadd.s32 $0xFFFFCF00  }
0x57: {  	[spmem:s2] =	stream.indirect.scatter.add.f32 [tilespmem:s25], [sflag:$0x4], $0x20, s24, s22, $0xb8;
	[tilespmem:$0x1F020] =	vst v63  }
0x58: {  	_ =	swait.ge [sflag:s29], $0x3100  }
0x59: {  	[sflag:s29] =	ssyncset.done $0x0  }
0x5a: {  	[sflag:s29] =	ssyncadd.s32 $0xFFFFCF00  }
0x5b: {  	_ =	swait.ge [sflag:s30], $0x3100  }
0x5c: {  	s0 =	simm.s32 $0x62;
	s1 =	simm.s32 $0xC4;
	[sflag:s30] =	ssyncset.done $0x0  }
.LBB2_4:
0x5d: {  	s7 =	sadd.s32 s0, s16  }
0x5e: {  	[sflag:s30] =	ssyncadd.s32 $0xFFFFCF00;
	s8 =	smov.u32 s1;
	s6 =	sadd.s32 $0x62, s1  }
0x5f: {  	[tilespmem:s20], [sflag:$0x5] =	stream.linear.gather [hbm4b:s7+s3], $0x188, $0x38;
	[tilespmem:$0x1F020] =	vst v63  }
0x60: {  	p0 =	sne.s32 s1, $0x181E;
	_ =	swait.ge [sflag:s19], $0x188  }
0x61: {  	[sflag:s19] =	ssyncset.done $0x0  }
0x62: {  	s1 =	sadd.s32 s0, s15;
	[sflag:s19] =	ssyncadd.s32 $0xFFFFFE78  }
0x63: {  	[tilespmem:s21], [sflag:$0x5] =	stream.linear.gather [hbm4b:s1+s3], $0x188, $0x38;
	[tilespmem:$0x1F020] =	vst v63  }
0x64: {  	_ =	swait.ge [sflag:s19], $0x188  }
0x65: {  	[sflag:s19] =	ssyncset.done $0x0  }
0x66: {  	[sflag:s19] =	ssyncadd.s32 $0xFFFFFE78  }
0x67: {  	[tilespmem:s3], [sflag:$0x1] =	stream.indirect.gather [hbm4b:s4+s22], $0x20, s20, s22, $0xb8;
	[tilespmem:$0x1F020] =	vst v63  }
0x68: {  	s1 =	sadd.s32 s0, s18  }
0x69: {  	[tilespmem:s23], [sflag:$0x5] =	stream.linear.gather [hbm4b:s1+s3], $0x188, $0x38;
	[tilespmem:$0x1F020] =	vst v63  }
0x6a: {  	_ =	swait.ge [sflag:s19], $0x188  }
0x6b: {  	[sflag:s19] =	ssyncset.done $0x0  }
0x6c: {  	s1 =	sadd.s32 s0, s17;
	s0 =	smov.u32 s8;
	[sflag:s19] =	ssyncadd.s32 $0xFFFFFE78  }
0x6d: {  	[tilespmem:s24], [sflag:$0x5] =	stream.linear.gather [hbm4b:s1+s3], $0x188, $0x38;
	[tilespmem:$0x1F020] =	vst v63  }
0x6e: {  	_ =	swait.ge [sflag:s19], $0x188  }
0x6f: {  	[sflag:s19] =	ssyncset.done $0x0  }
0x70: {  	[sflag:s19] =	ssyncadd.s32 $0xFFFFFE78  }
0x71: {  	[tilespmem:s25], [sflag:$0x2] =	stream.indirect.gather [hbm4b:s4+s22], $0x20, s23, s22, $0xb8;
	[tilespmem:$0x1F020] =	vst v63  }
0x72: {  	_ =	swait.ge [sflag:s26], $0x3100  }
0x73: {  	[sflag:s26] =	ssyncset.done $0x0  }
0x74: {  	[sflag:s26] =	ssyncadd.s32 $0xFFFFCF00  }
0x75: {  	[spmem:s2] =	stream.indirect.scatter.add.f32 [tilespmem:s3], [sflag:$0x3], $0x20, s21, s22, $0xb8;
	[tilespmem:$0x1F020] =	vst v63  }
0x76: {  	_ =	swait.ge [sflag:s28], $0x3100  }
0x77: {  	[sflag:s28] =	ssyncset.done $0x0  }
0x78: {  	[sflag:s28] =	ssyncadd.s32 $0xFFFFCF00  }
0x79: {  	[spmem:s2] =	stream.indirect.scatter.add.f32 [tilespmem:s25], [sflag:$0x4], $0x20, s24, s22, $0xb8;
	[tilespmem:$0x1F020] =	vst v63  }
.Ltmp1:
0x7a: {  	_ =	swait.ge [sflag:s29], $0x3100;
	(pc) =	sbr.rel @p0 .LBB2_4-.Ltmp1, $4  }
0x7b: {  	[sflag:s29] =	ssyncset.done $0x0  }
0x7c: {  	[sflag:s29] =	ssyncadd.s32 $0xFFFFCF00  }
0x7d: {  	_ =	swait.ge [sflag:s30], $0x3100  }
0x7e: {  	s1 =	smov.u32 s6;
	[sflag:s30] =	ssyncset.done $0x0  }
0x7f: {  	s1 =	sadd.s32 s0, s16;
	[sflag:s30] =	ssyncadd.s32 $0xFFFFCF00  }
0x80: {  	[tilespmem:s20], [sflag:$0x5] =	stream.linear.gather [hbm4b:s1+s3], $0x188, $0x38;
	[tilespmem:$0x1F020] =	vst v63  }
0x81: {  	_ =	swait.ge [sflag:s19], $0x188  }
0x82: {  	[sflag:s19] =	ssyncset.done $0x0  }
0x83: {  	s7 =	sadd.s32 s0, s15;
	[sflag:s19] =	ssyncadd.s32 $0xFFFFFE78  }
0x84: {  	[tilespmem:s21], [sflag:$0x5] =	stream.linear.gather [hbm4b:s7+s3], $0x188, $0x38;
	[tilespmem:$0x1F020] =	vst v63  }
0x85: {  	_ =	swait.ge [sflag:s19], $0x188  }
0x86: {  	[sflag:s19] =	ssyncset.done $0x0  }
0x87: {  	[sflag:s19] =	ssyncadd.s32 $0xFFFFFE78  }
0x88: {  	[tilespmem:s3], [sflag:$0x1] =	stream.indirect.gather [hbm4b:s4+s22], $0x20, s20, s22, $0xb8;
	[tilespmem:$0x1F020] =	vst v63  }
0x89: {  	s8 =	sadd.s32 s0, s18  }
0x8a: {  	[tilespmem:s23], [sflag:$0x5] =	stream.linear.gather [hbm4b:s8+s3], $0x188, $0x38;
	[tilespmem:$0x1F020] =	vst v63  }
0x8b: {  	_ =	swait.ge [sflag:s19], $0x188  }
0x8c: {  	[sflag:s19] =	ssyncset.done $0x0  }
0x8d: {  	s6 =	sadd.s32 s0, s17;
	[sflag:s19] =	ssyncadd.s32 $0xFFFFFE78  }
0x8e: {  	[tilespmem:s24], [sflag:$0x5] =	stream.linear.gather [hbm4b:s6+s3], $0x188, $0x38;
	[tilespmem:$0x1F020] =	vst v63  }
0x8f: {  	_ =	swait.ge [sflag:s19], $0x188  }
0x90: {  	[sflag:s19] =	ssyncset.done $0x0  }
0x91: {  	[sflag:s19] =	ssyncadd.s32 $0xFFFFFE78  }
0x92: {  	[tilespmem:s25], [sflag:$0x2] =	stream.indirect.gather [hbm4b:s4+s22], $0x20, s23, s22, $0xb8;
	[tilespmem:$0x1F020] =	vst v63  }
0x93: {  	_ =	swait.ge [sflag:s26], $0x3100  }
0x94: {  	[sflag:s26] =	ssyncset.done $0x0  }
0x95: {  	[sflag:s26] =	ssyncadd.s32 $0xFFFFCF00  }
0x96: {  	[spmem:s2] =	stream.indirect.scatter.add.f32 [tilespmem:s3], [sflag:$0x3], $0x20, s21, s22, $0xb8;
	[tilespmem:$0x1F020] =	vst v63  }
0x97: {  	_ =	swait.ge [sflag:s28], $0x3100  }
0x98: {  	[sflag:s28] =	ssyncset.done $0x0  }
0x99: {  	[sflag:s28] =	ssyncadd.s32 $0xFFFFCF00  }
0x9a: {  	[spmem:s2] =	stream.indirect.scatter.add.f32 [tilespmem:s25], [sflag:$0x4], $0x20, s24, s22, $0xb8;
	[tilespmem:$0x1F020] =	vst v63  }
0x9b: {  	_ =	swait.ge [sflag:s29], $0x3100  }
0x9c: {  	[sflag:s29] =	ssyncset.done $0x0  }
0x9d: {  	[sflag:s29] =	ssyncadd.s32 $0xFFFFCF00  }
0x9e: {  	s7 =	stileid.u32;
	_ =	swait.ge [sflag:s30], $0x3100  }
0x9f: {  	s31 =	sadd.s32 $0x1, s31;
	s0 =	sshll.u32 s7, $0x6;
	[sflag:s30] =	ssyncset.done $0x0  }
0xa0: {  	p0 =	sne.s32 s31, s14;
	s0 =	sor.u32 $0x1C05, s0;
	[sflag:s30] =	ssyncadd.s32 $0xFFFFCF00  }
.Ltmp2:
0xa1: {  	s8 =	sshrl.u32 s5, $0x3;
	[bflag:$0x0] =	sbarrier.arrive $0xFFFF;
	(pc) =	sbr.rel @p0 .LBB2_1-.Ltmp2, $4  }
0xa2: {  	[hbm:s13], [sflag:s0] =	dma.local [spmem:s8], $0x3100  }
0xa3: {  	_ =	swait.ge [sflag:s19], $0x3100  }
0xa4: {  	[sflag:s19] =	ssyncset.done $0x0  }
0xa5: {  	[sflag:s19] =	ssyncadd.s32 $0xFFFFCF00  }
0xa6: {  	_ =	sfence.sel $0x180000  }
0xa7: {  	[bflag:$0x0] =	sbarrier.arrive $0xFFFF  }
0xa8: {  	_ =	strace $0x90000047  }
0xa9: {  	s0 =	stileid.u32;
	[bflag:$0x2] =	sbarrier.arrive $0xFFFF  }
0xaa: {  	p0 =	sne.s32 s0, $0x0;
	s0 =	rddreg [dreg:$0x2]  }
0xab: {  	s0 =	sadd.s32 @!p0 $0x100000, s0  }
0xac: {  	[sflag:s0] =	ssyncadd.tile.s32 @!p0 $0x1;
	_ =	shalt  }
.Lfunc_end2:
_tile_overlayer_lowered:
.L_overlay_start_2:
0xad: {  	(tag) =	ssettag $0x2  }
0xae: {  	s0 =	rddreg [dreg:$0x0];
	s2 =	stileid.u32  }
0xaf: {  	s1 =	rddreg [dreg:$0x1];
	p0 =	sne.s32 s2, $0x0  }
0xb0: {  	s3 =	rddreg [dreg:$0x2];
	[bflag:$0x3] =	sbarrier.arrive $0xFFFF;
	s2 =	simm.s32 @!p0 $0x1C05  }
0xb1: {  	[timem:s3], [sflag:s2] =	dma.local @!p0 [hbm:s0], s1  }
0xb2: {  	s0 =	simm.s32 @!p0 $0x5  }
0xb3: {  	_ =	swait.ge @!p0 [sflag:s0], s1  }
0xb4: {  	s1 =	ssub.s32 @!p0 $0x0, s1;
	[sflag:s0] =	ssyncset.done @!p0 $0x0  }
0xb5: {  	[sflag:s0] =	ssyncadd.s32 @!p0 s1  }
0xb6: {  	[bflag:$0x3] =	sbarrier.arrive $0xFFFF  }
0xb7: {  	_ =	shalt  }

// kernel: kernel.14.cloned.1.call-start
scs
__scs_entry_jumppad:
0x0: {  	(pc) =	sbr.rel $0x88, $3  }
0x1: {  	(tag) =	ssettag $0x0;
	lr =	simm.s32 $0x1  }
0x2: {  	[smem:$0x3F93] =	sst lr;
	_ =	strace $0xD0000000  }
0x3: {  	_ = 	snop  }
0x4: {  	_ = 	snop  }
0x5: {  	_ = 	snop  }
0x6: {  	_ = 	snop  }
0x7: {  	_ = 	snop  }
__scs_overlays_trampoline_lowered:
0x8: {  	[smem:$0x3FA2] =	sst s0  }
0x9: {  	[smem:$0x3FA3] =	sst s1  }
0xa: {  	[smem:$0x3FA4] =	sst s2  }
0xb: {  	[smem:$0x3FA5] =	sst s3  }
0xc: {  	[smem:$0x3FA6] =	sst s4  }
0xd: {  	[smem:$0x3FA7] =	sst s5  }
0xe: {  	[smem:$0x3FA8] =	sst s6  }
0xf: {  	[smem:$0x3FA9] =	sst s7  }
0x10: {  	[smem:$0x3FAA] =	sst s8  }
0x11: {  	[smem:$0x3FAB] =	sst s9;
	s0 =	simm.s32 @!p0 $0x0  }
0x12: {  	s1 =	sld [smem:$0x3F91];
	s0 =	simm.s32 @p0 $0x1  }
0x13: {  	[smem:$0x3FAC] =	sst s0;
	s0 =	simm.s32 @!p1 $0x0  }
0x14: {  	s2 =	sld [smem:$0x3F90];
	s0 =	simm.s32 @p1 $0x1  }
0x15: {  	[smem:$0x3FAD] =	sst s0;
	s0 =	simm.s32 @!p2 $0x0  }
0x16: {  	s3 =	sld [smem:$0x3FDB];
	s0 =	simm.s32 @p2 $0x1  }
0x17: {  	s4 =	simm.s32 $0x1BF5;
	[smem:$0x3FAF] =	sst s0  }
0x18: {  	s0 =	sld [smem:$0x3F92];
	_ =	swait.ge [sflag:s4], $0x0  }
0x19: {  	s7 =	sld [smem:$0x3F93]  }
0x1a: {  	s8 =	sadd.s32 $0xFFFFE003, lr  }
0x1b: {  	s9 =	sadd.s32 $0xFFFFFEF7, lr;
	s5 =	simm.s32 $0xFFFFFFFF;
	p2 =	slt.u32 s8, $0xFFFFF086  }
0x1c: {  	p1 =	slt.u32 s9, $0xF7A;
	s5 =	simm.s32 @!p2 $0x0  }
0x1d: {  	s5 =	simm.s32 @p1 $0x1;
	p0 =	seq.s32 s7, s2  }
0x1e: {  	s7 =	smul.u32 @!p0 $0xF7A, s2;
	p2 =	seq.s32 @!p0 s5, $0x0  }
0x1f: {  	s9 =	smul.u32 $0xF7A, s1;
	s8 =	simm.s32 @!p0 $0x1BF5;
	p2 =	por !p2, p0  }
0x20: {  	[sflag:s8] =	ssyncset.s32 @!p0 $0xFFFFF086;
	s6 =	sadd.s32 @!p0 s3, s7;
	s7 =	simm.s32 @!p0 $0x108  }
0x21: {  	s3 =	sadd.s32 s3, s9;
	s6 =	sadd.s32 @!p0 $0x88, s6;
	s7 =	simm.s32 @p2 $0x1082  }
0x22: {  	[simem:s7], [sflag:s8] =	dma.local @!p0 [hbm:s6], $0xF7A  }
0x23: {  	s9 =	sor.u32 $0xD0000000, s2;
	s6 =	simm.s32 $0x108;
	_ =	swait.ge @!p0 [sflag:s8], $0x0  }
0x24: {  	s3 =	sadd.s32 $0x88, s3;
	s6 =	simm.s32 @!p1 $0x1082;
	[sflag:s4] =	ssyncset.s32 $0xFFFFF086  }
0x25: {  	[simem:s6], [sflag:s4] =	dma.local [hbm:s3], $0xF7A  }
0x26: {  	[smem:$0x3F93] =	sst s1;
	(tag) =	ssettag s2;
	_ =	strace s9  }
0x27: {  	s1 =	sld [smem:$0x3FA3]  }
0x28: {  	s2 =	sld [smem:$0x3FA4]  }
0x29: {  	s4 =	sld [smem:$0x3FA6]  }
0x2a: {  	p0 =	seq.s32 s5, $0x0;
	s5 =	sld [smem:$0x3FA7]  }
0x2b: {  	s6 =	sld [smem:$0x3FA8]  }
0x2c: {  	s7 =	sld [smem:$0x3FA9]  }
0x2d: {  	s3 =	simm.s32 $0x108;
	s8 =	sld [smem:$0x3FAA]  }
0x2e: {  	s3 =	simm.s32 @!p0 $0x1082;
	s9 =	sld [smem:$0x3FAB]  }
0x2f: {  	lr =	sadd.s32 s0, s3;
	s0 =	sld [smem:$0x3FA2]  }
0x30: {  	s3 =	sld [smem:$0x3FA5]  }
0x31: {  	[smem:$0x3FAE] =	sst s10  }
0x32: {  	s10 =	sld [smem:$0x3FAC];
	_ =	sdelay $0x3  }
0x33: {  	p0 =	seq.s32 s10, $0x1;
	s10 =	sld [smem:$0x3FAE];
	_ =	sdelay $0x3  }
0x34: {  	[smem:$0x3FAE] =	sst s10  }
0x35: {  	s10 =	sld [smem:$0x3FAD];
	_ =	sdelay $0x3  }
0x36: {  	p1 =	seq.s32 s10, $0x1;
	s10 =	sld [smem:$0x3FAE];
	_ =	sdelay $0x3  }
0x37: {  	[smem:$0x3FAE] =	sst s10  }
0x38: {  	s10 =	sld [smem:$0x3FAF]  }
0x39: {  	_ = 	snop;
	(pc) =	sbr.ind lr, $3  }
0x3a: {  	_ = 	snop  }
0x3b: {  	_ = 	snop  }
0x3c: {  	p2 =	seq.s32 s10, $0x1;
	s10 =	sld [smem:$0x3FAE]  }
0x3d: {  	_ =	shalt  }
0x3e: {  	_ =	shalt  }
0x3f: {  	_ =	shalt  }
0x40: {  	_ =	shalt  }
0x41: {  	_ =	shalt  }
0x42: {  	_ =	shalt  }
0x43: {  	_ =	shalt  }
0x44: {  	_ =	shalt  }
0x45: {  	_ =	shalt  }
0x46: {  	_ =	shalt  }
0x47: {  	_ =	shalt  }
0x48: {  	_ =	shalt  }
0x49: {  	_ =	shalt  }
0x4a: {  	_ =	shalt  }
0x4b: {  	_ =	shalt  }
0x4c: {  	_ =	shalt  }
0x4d: {  	_ =	shalt  }
0x4e: {  	_ =	shalt  }
0x4f: {  	_ =	shalt  }
0x50: {  	_ =	shalt  }
0x51: {  	_ =	shalt  }
0x52: {  	_ =	shalt  }
0x53: {  	_ =	shalt  }
0x54: {  	_ =	shalt  }
0x55: {  	_ =	shalt  }
0x56: {  	_ =	shalt  }
0x57: {  	_ =	shalt  }
0x58: {  	_ =	shalt  }
0x59: {  	_ =	shalt  }
0x5a: {  	_ =	shalt  }
0x5b: {  	_ =	shalt  }
0x5c: {  	_ =	shalt  }
0x5d: {  	_ =	shalt  }
0x5e: {  	_ =	shalt  }
0x5f: {  	_ =	shalt  }
0x60: {  	_ =	shalt  }
0x61: {  	_ =	shalt  }
0x62: {  	_ =	shalt  }
0x63: {  	_ =	shalt  }
0x64: {  	_ =	shalt  }
0x65: {  	_ =	shalt  }
0x66: {  	_ =	shalt  }
0x67: {  	_ =	shalt  }
0x68: {  	_ =	shalt  }
0x69: {  	_ =	shalt  }
0x6a: {  	_ =	shalt  }
0x6b: {  	_ =	shalt  }
0x6c: {  	_ =	shalt  }
0x6d: {  	_ =	shalt  }
0x6e: {  	_ =	shalt  }
0x6f: {  	_ =	shalt  }
0x70: {  	_ =	shalt  }
0x71: {  	_ =	shalt  }
0x72: {  	_ =	shalt  }
0x73: {  	_ =	shalt  }
0x74: {  	_ =	shalt  }
0x75: {  	_ =	shalt  }
0x76: {  	_ =	shalt  }
0x77: {  	_ =	shalt  }
0x78: {  	_ =	shalt  }
0x79: {  	_ =	shalt  }
0x7a: {  	_ =	shalt  }
0x7b: {  	_ =	shalt  }
0x7c: {  	_ =	shalt  }
0x7d: {  	_ =	shalt  }
0x7e: {  	_ =	shalt  }
0x7f: {  	_ =	shalt  }
0x80: {  	_ =	shalt  }
0x81: {  	_ =	shalt  }
0x82: {  	_ =	shalt  }
0x83: {  	_ =	shalt  }
0x84: {  	_ =	shalt  }
0x85: {  	_ =	shalt  }
0x86: {  	_ =	shalt  }
0x87: {  	_ =	shalt  }
.Lfunc_end0:
.L_simem_size_0:
called_computation.2_lowered:
.L_overlay_start_0:
0x88: {  	s2 =	sld [smem:$0x3FD9]  }
0x89: {  	s3 =	sld [smem:$0x3FFE];
	_ =	sdelay $0x1  }
0x8a: {  	s1 =	srdreg.scid  }
0x8b: {  	s0 =	sand.u32 $0x1, s1  }
0x8c: {  	s17 =	sshll.u32 s0, $0xA;
	s2 =	sadd.s32 s3, s2  }
0x8d: {  	s2 =	sadd.s32 s2, s17  }
0x8e: {  	[smem:$0x3FBA] =	sst s2  }
0x8f: {  	_ = 	snop  }
0x90: {  	s2 =	sld [smem:$0x3FD0];
	(tm) =	ssettm $0x1  }
0x91: {  	s18 =	sld [smem:$0x3FFB];
	_ =	sdelay $0x3  }
0x92: {  	_ =	strace s18  }
0x93: {  	s3 =	sld [smem:$0x3FFC];
	_ =	sdelay $0x3  }
0x94: {  	_ =	strace s3  }
0x95: {  	s3 =	sld [smem:$0x3FFD];
	_ =	sdelay $0x3  }
0x96: {  	_ =	strace s3  }
0x97: {  	_ =	strace $0x8FFFFFFF  }
0x98: {  	s19 =	sld [smem:$0x3FDB];
	_ =	sdelay $0x1  }
0x99: {  	s4 =	simm.s32 $_scs_section_size  }
0x9a: {  	s5 =	simm.s32 $_size__tile_overlayer_lowered;
	s6 =	simm.s32 $_tile_overlayer_lowered  }
0x9b: {  	s22 =	simm.s32 $0x1BFF;
	s21 =	sshll.u32 s6, $0x1;
	s3 =	sadd.s32 s4, s19  }
0x9c: {  	s7 =	simm.s32 $0x0;
	s20 =	sshll.u32 s5, $0x1;
	s5 =	sadd.s32 s21, s3  }
0x9d: {  	[timem:s7], [sflag:s22] =	dma.local [hbm:s5], s20  }
0x9e: {  	_ =	swait.ge [sflag:s22], s20  }
0x9f: {  	s4 =	ssub.s32 $0x0, s20;
	[sflag:s22] =	ssyncset.done $0x0  }
0xa0: {  	[sflag:s22] =	ssyncadd.s32 s4;
	_ =	sdelay $0x1  }
0xa1: {  	s23 =	simm.s32 $0x1B8B  }
0xa2: {  	_ =	swait.ge [sflag:s23], $0x1  }
0xa3: {  	[sflag:s23] =	ssyncset.done $0x0  }
0xa4: {  	s25 =	simm.s32 $0x1B8E;
	s24 =	sld [smem:$0x3FFE];
	[sflag:s23] =	ssyncadd.s32 $0xFFFFFFFF  }
0xa5: {  	s26 =	simm.s32 $execute0_lowered;
	[smem:$0x3FD2] =	sst s25  }
0xa6: {  	s5 =	sshll.u32 s26, $0x1;
	_ =	strace $0x8000004C;
	[dreg:$0x1] =	wrdreg $0xFFFFFFFF  }
0xa7: {  	s28 =	simm.s32 $_size_execute0_lowered;
	s3 =	sadd.s32 s3, s5;
	[dreg:$0x0] =	wrdreg $0x0  }
0xa8: {  	s5 =	sshll.u32 s28, $0x1;
	[dreg:$0x2] =	wrdreg s3  }
0xa9: {  	[dreg:$0x3] =	wrdreg s5  }
0xaa: {  	[dreg:$0x4] =	wrdreg $0xC0  }
0xab: {  	_ =	task [dreg:s7], $0x5FFFF  }
0xac: {  	[dreg:$0x1] =	wrdreg $0xFFFFFFFF  }
0xad: {  	[dreg:$0x0] =	wrdreg $0x60  }
0xae: {  	[dreg:$0x2] =	wrdreg s2  }
0xaf: {  	[dreg:$0x3] =	wrdreg s24  }
0xb0: {  	[dreg:$0x4] =	wrdreg $0x9  }
0xb1: {  	_ =	task.clear_ibuf [dreg:s7], $0x5FFFF;
	_ =	strace $0x9000004C  }
0xb2: {  	s29 =	simm.s32 $0x9;
	_ =	strace $0x8000004E  }
0xb3: {  	_ =	swait.ge [sflag:s29], $0x1  }
0xb4: {  	[sflag:s29] =	ssyncadd.s32 $0xFFFFFFFF  }
0xb5: {  	_ =	strace $0x9000004E  }
0xb6: {  	_ =	sfence  }
0xb7: {  	s30 =	sld [smem:$0x0];
	_ =	sdelay $0x2  }
0xb8: {  	s31 =	sshll.u32 s1, $0xD;
	s1 =	sshrl.u32 s1, $0x2  }
0xb9: {  	s3 =	sand.u32 $0x4000, s31;
	s1 =	sadd.s32 s1, s30  }
0xba: {  	s0 =	sor.u32 s3, s0;
	s1 =	sshll.u32 s1, $0x11  }
0xbb: {  	s0 =	sor.u32 s1, s0  }
0xbc: {  	s0 =	sadd.s32 $0x8F2B, s0  }
0xbd: {  	[sflag:s0] =	ssyncadd.remote.s32 $0x1  }
0xbe: {  	_ =	sfence.sel $0xFFFF  }
0xbf: {  	[dreg:$0x0] =	wrdreg $0xFFFFFFFF;
	(pc) =	sbr.abs _section_cstart, $3  }
0xc0: {  	[dreg:$0x1] =	wrdreg $0xFFFFFFFF  }
0xc1: {  	_ =	task.clear_ibuf [dreg:s7], $0x2FFFF;
	_ =	strace $0x9FFFFFFF  }
0xc2: {  	(tm) =	ssettm $0x7FFFFFFF  }
0xc3: {  	_ =	shalt  }
tec
execute0_lowered:
.L_overlay_start_1:
0x0: {  	(tag) =	ssettag $0x1  }
0x1: {  	s0 =	srdreg.scid;
	s2 =	rddreg [dreg:$0x0]  }
0x2: {  	s6 =	rddreg [dreg:$0x1];
	s1 =	stileid.u32;
	s3 =	simm.s32 $0x0  }
0x3: {  	s10 =	simm.s32 $0x18800;
	s11 =	simm.s32 $0x18C00;
	s5 =	sand.u32 $0x1, s0  }
0x4: {  	s12 =	simm.s32 $0xC400;
	s0 =	rddreg [dreg:$0x2];
	s4 =	sshll.u32 s5, $0x4  }
0x5: {  	s13 =	simm.s32 $0x0;
	[smem:$0x7FF] =	sst s3;
	s7 =	sor.u32 s1, s4  }
0x6: {  	_ =	strace $0x8000004D;
	s9 =	ssub.s32 $0x2, s5;
	s8 =	smul.u32 $0x1880, s7  }
0x7: {  	s5 =	sadd.s32 $0x33A00, s6;
	s4 =	sadd.s32 $0x64A00, s6;
	s31 =	sshrl.u32 s9, $0x1  }
0x8: {  	s9 =	ssub.s32 s9, s31;
	s8 =	sadd.s32 s8, s6;
	s6 =	smul.u32 $0xC400, s7  }
0x9: {  	v0 =	vimm.f32 $0.0e+00;
	s7 =	sadd.s32 $0x2A00, s8;
	s8 =	smax.u32 s9, $0x1;
	s9 =	simm.s32 $0x1  }
.LBB2_1:
0xa: {  	[tilespmem:s3], [sflag:$0x1] =	stream.linear.gather [hbm4b:s2+s3], $0xC400, $0x38;
	[tilespmem:$0x19000] =	vst v63  }
0xb: {  	_ =	swait.ge [sflag:s9], $0xC400  }
0xc: {  	[sflag:s9] =	ssyncset.done $0x0  }
0xd: {  	s14 =	simm.s32 $0x40;
	s15 =	simm.s32 $0x0;
	[sflag:s9] =	ssyncadd.s32 $0xFFFF3C00  }
.LBB2_2:
0xe: {  	p0 =	sne.s32 s14, $0x30FC0;
	[tilespmem:s15+$0xC400] =	vst v0;
	s15 =	smov.u32 s14;
	s14 =	sadd.s32 $0x40, s14  }
.Ltmp0:
0xf: {  	(pc) =	sbr.rel @p0 .LBB2_2-.Ltmp0, $2  }
0x10: {  	_ =	sdelay $0x2  }
0x11: {  	s15 =	sshra.s32 s15, $0x2  }
0x12: {  	[tilespmem:s15+$0xC400] =	vst v0;
	s14 =	simm.s32 $0x0;
	s15 =	simm.s32 $0x0  }
.LBB2_4:
0x13: {  	s16 =	sshll.u32 s15, $0xA  }
0x14: {  	s16 =	sadd.s32 s6, s16  }
0x15: {  	s16 =	sshrl.u32 s16, $0x3  }
0x16: {  	s17 =	sadd.s32 s4, s16  }
0x17: {  	[tilespmem:s10], [sflag:$0x1] =	stream.linear.gather [hbm4b:s17+s14], $0x400, $0x38;
	[tilespmem:$0x19000] =	vst v63  }
0x18: {  	_ =	swait.ge [sflag:s9], $0x400  }
0x19: {  	[sflag:s9] =	ssyncset.done $0x0  }
0x1a: {  	s16 =	sadd.s32 s5, s16;
	[sflag:s9] =	ssyncadd.s32 $0xFFFFFC00  }
0x1b: {  	[tilespmem:s11], [sflag:$0x1] =	stream.linear.gather [hbm4b:s16+s14], $0x400, $0x38;
	[tilespmem:$0x19000] =	vst v63  }
0x1c: {  	_ =	swait.ge [sflag:s9], $0x400  }
0x1d: {  	[sflag:s9] =	ssyncset.done $0x0  }
0x1e: {  	s17 =	simm.s32 $0x0;
	s16 =	simm.s32 $0x40;
	[sflag:s9] =	ssyncadd.s32 $0xFFFFFC00  }
.LBB2_5:
0x1f: {  	p0 =	sne.s32 s16, $0xFC0;
	v1 =	vld [tilespmem:s17+$0x18800];
	_ =	sdelay $0x5  }
0x20: {  	v2 =	vld [tilespmem:s17+$0x18C00];
	_ =	sdelay $0x1  }
0x21: {  	v1 =	vld.idx.msk [tilespmem:v1+s3+$0x0], $0xffff;
	_ =	sdelay $0x1  }
.Ltmp1:
0x22: {  	(pc) =	sbr.rel @p0 .LBB2_5-.Ltmp1, $2  }
0x23: {  	_ =	sdelay $0x2  }
0x24: {  	s17 =	sshra.s32 s16, $0x2;
	s16 =	sadd.s32 $0x40, s16;
	[tilespmem:v2+s12+$0x0] =	vst.idx.add.f32.msk $0xffff, v1  }
0x25: {  	v1 =	vld [tilespmem:s17+$0x18800];
	_ =	sdelay $0x4  }
0x26: {  	v2 =	vld [tilespmem:s17+$0x18C00];
	_ =	sdelay $0x1  }
0x27: {  	s15 =	sadd.s32 $0x1, s15  }
0x28: {  	p0 =	sne.s32 s15, $0x31;
	v1 =	vld.idx.msk [tilespmem:v1+s3+$0x0], $0xffff  }
.Ltmp2:
0x29: {  	_ = 	snop;
	(pc) =	sbr.rel @p0 .LBB2_4-.Ltmp2, $2  }
0x2a: {  	_ =	sdelay $0x2  }
0x2b: {  	[tilespmem:v2+s12+$0x0] =	vst.idx.add.f32.msk $0xffff, v1  }
0x2c: {  	s13 =	sadd.s32 $0x1, s13  }
0x2d: {  	p0 =	sne.s32 s13, s8  }
.Ltmp3:
0x2e: {  	_ = 	snop;
	(pc) =	sbr.rel @p0 .LBB2_1-.Ltmp3, $4  }
0x2f: {  	[hbm4b:s7+s3] =	stream.linear.scatter [tilespmem:s12], [sflag:$0x1], $0xC400, $0x38;
	[tilespmem:$0x19000] =	vst v63  }
0x30: {  	_ =	swait.ge [sflag:s9], $0xC400  }
0x31: {  	[sflag:s9] =	ssyncset.done $0x0  }
0x32: {  	[sflag:s9] =	ssyncadd.s32 $0xFFFF3C00  }
0x33: {  	_ =	sfence.sel $0x180000  }
0x34: {  	[bflag:$0x0] =	sbarrier.arrive $0xFFFF  }
0x35: {  	p0 =	sne.s32 s1, $0x0;
	_ =	strace $0x9000004D  }
0x36: {  	s0 =	sadd.s32 @!p0 $0x100000, s0;
	[bflag:$0x2] =	sbarrier.arrive $0xFFFF  }
0x37: {  	[sflag:s0] =	ssyncadd.tile.s32 @!p0 $0x1;
	_ =	shalt  }
.Lfunc_end2:
_tile_overlayer_lowered:
.L_overlay_start_2:
0x38: {  	(tag) =	ssettag $0x2  }
0x39: {  	s0 =	rddreg [dreg:$0x0];
	s2 =	stileid.u32  }
0x3a: {  	s1 =	rddreg [dreg:$0x1];
	p0 =	sne.s32 s2, $0x0  }
0x3b: {  	s3 =	rddreg [dreg:$0x2];
	[bflag:$0x3] =	sbarrier.arrive $0xFFFF;
	s2 =	simm.s32 @!p0 $0x1C01  }
0x3c: {  	[timem:s3], [sflag:s2] =	dma.local @!p0 [hbm:s0], s1  }
0x3d: {  	s0 =	simm.s32 @!p0 $0x1  }
0x3e: {  	_ =	swait.ge @!p0 [sflag:s0], s1  }
0x3f: {  	s1 =	ssub.s32 @!p0 $0x0, s1;
	[sflag:s0] =	ssyncset.done @!p0 $0x0  }
0x40: {  	[sflag:s0] =	ssyncadd.s32 @!p0 s1  }
0x41: {  	[bflag:$0x3] =	sbarrier.arrive $0xFFFF  }
0x42: {  	_ =	shalt  }

// kernel: kernel.8.cloned.1.call-start
scs
__scs_entry_jumppad:
0x0: {  	(pc) =	sbr.rel $0x88, $3  }
0x1: {  	(tag) =	ssettag $0x0;
	lr =	simm.s32 $0x1  }
0x2: {  	[smem:$0x3F93] =	sst lr;
	_ =	strace $0xD0000000  }
0x3: {  	_ = 	snop  }
0x4: {  	_ = 	snop  }
0x5: {  	_ = 	snop  }
0x6: {  	_ = 	snop  }
0x7: {  	_ = 	snop  }
__scs_overlays_trampoline_lowered:
0x8: {  	[smem:$0x3FA2] =	sst s0  }
0x9: {  	[smem:$0x3FA3] =	sst s1  }
0xa: {  	[smem:$0x3FA4] =	sst s2  }
0xb: {  	[smem:$0x3FA5] =	sst s3  }
0xc: {  	[smem:$0x3FA6] =	sst s4  }
0xd: {  	[smem:$0x3FA7] =	sst s5  }
0xe: {  	[smem:$0x3FA8] =	sst s6  }
0xf: {  	[smem:$0x3FA9] =	sst s7  }
0x10: {  	[smem:$0x3FAA] =	sst s8  }
0x11: {  	[smem:$0x3FAB] =	sst s9;
	s0 =	simm.s32 @!p0 $0x0  }
0x12: {  	s1 =	sld [smem:$0x3F91];
	s0 =	simm.s32 @p0 $0x1  }
0x13: {  	[smem:$0x3FAC] =	sst s0;
	s0 =	simm.s32 @!p1 $0x0  }
0x14: {  	s2 =	sld [smem:$0x3F90];
	s0 =	simm.s32 @p1 $0x1  }
0x15: {  	[smem:$0x3FAD] =	sst s0;
	s0 =	simm.s32 @!p2 $0x0  }
0x16: {  	s3 =	sld [smem:$0x3FDB];
	s0 =	simm.s32 @p2 $0x1  }
0x17: {  	s4 =	simm.s32 $0x1BF5;
	[smem:$0x3FAF] =	sst s0  }
0x18: {  	s0 =	sld [smem:$0x3F92];
	_ =	swait.ge [sflag:s4], $0x0  }
0x19: {  	s7 =	sld [smem:$0x3F93]  }
0x1a: {  	s8 =	sadd.s32 $0xFFFFE003, lr  }
0x1b: {  	s9 =	sadd.s32 $0xFFFFFEF7, lr;
	s5 =	simm.s32 $0xFFFFFFFF;
	p2 =	slt.u32 s8, $0xFFFFF086  }
0x1c: {  	p1 =	slt.u32 s9, $0xF7A;
	s5 =	simm.s32 @!p2 $0x0  }
0x1d: {  	s5 =	simm.s32 @p1 $0x1;
	p0 =	seq.s32 s7, s2  }
0x1e: {  	s7 =	smul.u32 @!p0 $0xF7A, s2;
	p2 =	seq.s32 @!p0 s5, $0x0  }
0x1f: {  	s9 =	smul.u32 $0xF7A, s1;
	s8 =	simm.s32 @!p0 $0x1BF5;
	p2 =	por !p2, p0  }
0x20: {  	[sflag:s8] =	ssyncset.s32 @!p0 $0xFFFFF086;
	s6 =	sadd.s32 @!p0 s3, s7;
	s7 =	simm.s32 @!p0 $0x108  }
0x21: {  	s3 =	sadd.s32 s3, s9;
	s6 =	sadd.s32 @!p0 $0x88, s6;
	s7 =	simm.s32 @p2 $0x1082  }
0x22: {  	[simem:s7], [sflag:s8] =	dma.local @!p0 [hbm:s6], $0xF7A  }
0x23: {  	s9 =	sor.u32 $0xD0000000, s2;
	s6 =	simm.s32 $0x108;
	_ =	swait.ge @!p0 [sflag:s8], $0x0  }
0x24: {  	s3 =	sadd.s32 $0x88, s3;
	s6 =	simm.s32 @!p1 $0x1082;
	[sflag:s4] =	ssyncset.s32 $0xFFFFF086  }
0x25: {  	[simem:s6], [sflag:s4] =	dma.local [hbm:s3], $0xF7A  }
0x26: {  	[smem:$0x3F93] =	sst s1;
	(tag) =	ssettag s2;
	_ =	strace s9  }
0x27: {  	s1 =	sld [smem:$0x3FA3]  }
0x28: {  	s2 =	sld [smem:$0x3FA4]  }
0x29: {  	s4 =	sld [smem:$0x3FA6]  }
0x2a: {  	p0 =	seq.s32 s5, $0x0;
	s5 =	sld [smem:$0x3FA7]  }
0x2b: {  	s6 =	sld [smem:$0x3FA8]  }
0x2c: {  	s7 =	sld [smem:$0x3FA9]  }
0x2d: {  	s3 =	simm.s32 $0x108;
	s8 =	sld [smem:$0x3FAA]  }
0x2e: {  	s3 =	simm.s32 @!p0 $0x1082;
	s9 =	sld [smem:$0x3FAB]  }
0x2f: {  	lr =	sadd.s32 s0, s3;
	s0 =	sld [smem:$0x3FA2]  }
0x30: {  	s3 =	sld [smem:$0x3FA5]  }
0x31: {  	[smem:$0x3FAE] =	sst s10  }
0x32: {  	s10 =	sld [smem:$0x3FAC];
	_ =	sdelay $0x3  }
0x33: {  	p0 =	seq.s32 s10, $0x1;
	s10 =	sld [smem:$0x3FAE];
	_ =	sdelay $0x3  }
0x34: {  	[smem:$0x3FAE] =	sst s10  }
0x35: {  	s10 =	sld [smem:$0x3FAD];
	_ =	sdelay $0x3  }
0x36: {  	p1 =	seq.s32 s10, $0x1;
	s10 =	sld [smem:$0x3FAE];
	_ =	sdelay $0x3  }
0x37: {  	[smem:$0x3FAE] =	sst s10  }
0x38: {  	s10 =	sld [smem:$0x3FAF]  }
0x39: {  	_ = 	snop;
	(pc) =	sbr.ind lr, $3  }
0x3a: {  	_ = 	snop  }
0x3b: {  	_ = 	snop  }
0x3c: {  	p2 =	seq.s32 s10, $0x1;
	s10 =	sld [smem:$0x3FAE]  }
0x3d: {  	_ =	shalt  }
0x3e: {  	_ =	shalt  }
0x3f: {  	_ =	shalt  }
0x40: {  	_ =	shalt  }
0x41: {  	_ =	shalt  }
0x42: {  	_ =	shalt  }
0x43: {  	_ =	shalt  }
0x44: {  	_ =	shalt  }
0x45: {  	_ =	shalt  }
0x46: {  	_ =	shalt  }
0x47: {  	_ =	shalt  }
0x48: {  	_ =	shalt  }
0x49: {  	_ =	shalt  }
0x4a: {  	_ =	shalt  }
0x4b: {  	_ =	shalt  }
0x4c: {  	_ =	shalt  }
0x4d: {  	_ =	shalt  }
0x4e: {  	_ =	shalt  }
0x4f: {  	_ =	shalt  }
0x50: {  	_ =	shalt  }
0x51: {  	_ =	shalt  }
0x52: {  	_ =	shalt  }
0x53: {  	_ =	shalt  }
0x54: {  	_ =	shalt  }
0x55: {  	_ =	shalt  }
0x56: {  	_ =	shalt  }
0x57: {  	_ =	shalt  }
0x58: {  	_ =	shalt  }
0x59: {  	_ =	shalt  }
0x5a: {  	_ =	shalt  }
0x5b: {  	_ =	shalt  }
0x5c: {  	_ =	shalt  }
0x5d: {  	_ =	shalt  }
0x5e: {  	_ =	shalt  }
0x5f: {  	_ =	shalt  }
0x60: {  	_ =	shalt  }
0x61: {  	_ =	shalt  }
0x62: {  	_ =	shalt  }
0x63: {  	_ =	shalt  }
0x64: {  	_ =	shalt  }
0x65: {  	_ =	shalt  }
0x66: {  	_ =	shalt  }
0x67: {  	_ =	shalt  }
0x68: {  	_ =	shalt  }
0x69: {  	_ =	shalt  }
0x6a: {  	_ =	shalt  }
0x6b: {  	_ =	shalt  }
0x6c: {  	_ =	shalt  }
0x6d: {  	_ =	shalt  }
0x6e: {  	_ =	shalt  }
0x6f: {  	_ =	shalt  }
0x70: {  	_ =	shalt  }
0x71: {  	_ =	shalt  }
0x72: {  	_ =	shalt  }
0x73: {  	_ =	shalt  }
0x74: {  	_ =	shalt  }
0x75: {  	_ =	shalt  }
0x76: {  	_ =	shalt  }
0x77: {  	_ =	shalt  }
0x78: {  	_ =	shalt  }
0x79: {  	_ =	shalt  }
0x7a: {  	_ =	shalt  }
0x7b: {  	_ =	shalt  }
0x7c: {  	_ =	shalt  }
0x7d: {  	_ =	shalt  }
0x7e: {  	_ =	shalt  }
0x7f: {  	_ =	shalt  }
0x80: {  	_ =	shalt  }
0x81: {  	_ =	shalt  }
0x82: {  	_ =	shalt  }
0x83: {  	_ =	shalt  }
0x84: {  	_ =	shalt  }
0x85: {  	_ =	shalt  }
0x86: {  	_ =	shalt  }
0x87: {  	_ =	shalt  }
.Lfunc_end0:
.L_simem_size_0:
called_computation_lowered:
.L_overlay_start_0:
0x88: {  	s2 =	sld [smem:$0x3FD9]  }
0x89: {  	s3 =	sld [smem:$0x3FFE];
	_ =	sdelay $0x1  }
0x8a: {  	s1 =	srdreg.scid  }
0x8b: {  	s0 =	sand.u32 $0x1, s1  }
0x8c: {  	s17 =	sshll.u32 s0, $0xA;
	s2 =	sadd.s32 s3, s2  }
0x8d: {  	s2 =	sadd.s32 s2, s17  }
0x8e: {  	[smem:$0x3FBA] =	sst s2  }
0x8f: {  	_ = 	snop  }
0x90: {  	(tm) =	ssettm $0x1  }
0x91: {  	s18 =	sld [smem:$0x3FFB];
	_ =	sdelay $0x3  }
0x92: {  	_ =	strace s18  }
0x93: {  	s2 =	sld [smem:$0x3FFC];
	_ =	sdelay $0x3  }
0x94: {  	_ =	strace s2  }
0x95: {  	s2 =	sld [smem:$0x3FFD];
	_ =	sdelay $0x3  }
0x96: {  	_ =	strace s2  }
0x97: {  	_ =	strace $0x8FFFFFFF  }
0x98: {  	s19 =	sld [smem:$0x3FDB];
	_ =	sdelay $0x1  }
0x99: {  	s20 =	simm.s32 $_scs_section_size  }
0x9a: {  	s4 =	simm.s32 $_size__tile_overlayer_lowered;
	s5 =	simm.s32 $_tile_overlayer_lowered  }
0x9b: {  	s6 =	simm.s32 $0x1BFF;
	s21 =	sshll.u32 s5, $0x1;
	s3 =	sadd.s32 s20, s19  }
0x9c: {  	s22 =	simm.s32 $0x0;
	s4 =	sshll.u32 s4, $0x1;
	s5 =	sadd.s32 s21, s3  }
0x9d: {  	[timem:s22], [sflag:s6] =	dma.local [hbm:s5], s4  }
0x9e: {  	_ =	swait.ge [sflag:s6], s4  }
0x9f: {  	s4 =	ssub.s32 $0x0, s4;
	[sflag:s6] =	ssyncset.done $0x0  }
0xa0: {  	[sflag:s6] =	ssyncadd.s32 s4;
	_ =	sdelay $0x1  }
0xa1: {  	s23 =	simm.s32 $0x1B8B  }
0xa2: {  	_ =	swait.ge [sflag:s23], $0x1  }
0xa3: {  	[sflag:s23] =	ssyncset.done $0x0  }
0xa4: {  	[sflag:s23] =	ssyncadd.s32 $0xFFFFFFFF  }
0xa5: {  	s4 =	sld [smem:$0x0]  }
0xa6: {  	s5 =	sand.u32 $0xFFFFFFFE, s1  }
0xa7: {  	p0 =	sne.s32 s1, s5  }
0xa8: {  	s5 =	sshll.u32 @p0 s5, $0xE  }
0xa9: {  	s5 =	sadd.s32 @p0 $0x11B8D, s5;
	s6 =	sshll.u32 @p0 s4, $0x11  }
0xaa: {  	s5 =	sor.u32 @p0 s6, s5  }
0xab: {  	[sflag:s5] =	ssyncadd.remote.s32 @p0 $0x1;
	_ =	sdelay $0x1  }
0xac: {  	s5 =	simm.s32 @p0 $0x1B8D  }
0xad: {  	_ =	swait.eq @p0 [sflag:s5], $0x1  }
0xae: {  	[sflag:s5] =	ssyncadd.s32 @p0 $0xFFFFFFFF  }
0xaf: {  	s6 =	sshll.u32 @!p0 s1, $0xE  }
0xb0: {  	s6 =	sor.u32 @!p0 $0x4000, s6;
	s5 =	simm.s32 @!p0 $0x1B8D  }
0xb1: {  	s4 =	sshll.u32 @!p0 s4, $0x11;
	s6 =	sadd.s32 @!p0 $0x11B8D, s6;
	_ =	swait.eq @!p0 [sflag:s5], $0x1  }
0xb2: {  	s4 =	sor.u32 @!p0 s4, s6;
	[sflag:s5] =	ssyncadd.s32 @!p0 $0xFFFFFFFF  }
0xb3: {  	s25 =	simm.s32 $0x1B8E;
	s24 =	sld [smem:$0x3FFE];
	[sflag:s4] =	ssyncadd.remote.s32 @!p0 $0x1  }
0xb4: {  	s26 =	simm.s32 $execute0_lowered;
	[smem:$0x3FD2] =	sst s25  }
0xb5: {  	s5 =	sshll.u32 s26, $0x1;
	_ =	strace $0x80000049;
	[dreg:$0x1] =	wrdreg $0xFFFFFFFF  }
0xb6: {  	s28 =	simm.s32 $_size_execute0_lowered;
	s3 =	sadd.s32 s3, s5;
	[dreg:$0x0] =	wrdreg $0x0  }
0xb7: {  	s5 =	sshll.u32 s28, $0x1;
	[dreg:$0x2] =	wrdreg s3  }
0xb8: {  	[dreg:$0x3] =	wrdreg s5  }
0xb9: {  	[dreg:$0x4] =	wrdreg $0xC0  }
0xba: {  	_ =	task [dreg:s22], $0x5FFFF  }
0xbb: {  	[dreg:$0x1] =	wrdreg $0xFFFFFFFF  }
0xbc: {  	[dreg:$0x0] =	wrdreg $0x60  }
0xbd: {  	[dreg:$0x2] =	wrdreg s24  }
0xbe: {  	[dreg:$0x3] =	wrdreg $0x9  }
0xbf: {  	_ =	task.clear_ibuf [dreg:s22], $0x4FFFF;
	_ =	strace $0x90000049  }
0xc0: {  	s29 =	simm.s32 $0x9;
	_ =	strace $0x8000004B  }
0xc1: {  	_ =	swait.ge [sflag:s29], $0x1  }
0xc2: {  	[sflag:s29] =	ssyncadd.s32 $0xFFFFFFFF  }
0xc3: {  	_ =	strace $0x9000004B  }
0xc4: {  	_ =	sfence  }
0xc5: {  	s30 =	sld [smem:$0x0];
	_ =	sdelay $0x2  }
0xc6: {  	s31 =	sshll.u32 s1, $0xD;
	s1 =	sshrl.u32 s1, $0x2  }
0xc7: {  	s4 =	sand.u32 $0x4000, s31;
	s1 =	sadd.s32 s1, s30  }
0xc8: {  	s0 =	sor.u32 s4, s0;
	s1 =	sshll.u32 s1, $0x11  }
0xc9: {  	s0 =	sor.u32 s1, s0  }
0xca: {  	s0 =	sadd.s32 $0x8F2B, s0  }
0xcb: {  	[sflag:s0] =	ssyncadd.remote.s32 $0x1  }
0xcc: {  	_ =	sfence.sel $0xFFFF  }
0xcd: {  	[dreg:$0x0] =	wrdreg $0xFFFFFFFF;
	(pc) =	sbr.abs _section_cstart, $3  }
0xce: {  	[dreg:$0x1] =	wrdreg $0xFFFFFFFF  }
0xcf: {  	_ =	task.clear_ibuf [dreg:s22], $0x2FFFF;
	_ =	strace $0x9FFFFFFF  }
0xd0: {  	(tm) =	ssettm $0x7FFFFFFF  }
0xd1: {  	_ =	shalt  }
tec
execute0_lowered:
.L_overlay_start_1:
0x0: {  	(tag) =	ssettag $0x1  }
0x1: {  	s0 =	srdreg.scid  }
0x2: {  	s4 =	rddreg [dreg:$0x0];
	s1 =	stileid.u32;
	s3 =	sand.u32 $0x1, s0  }
0x3: {  	s2 =	simm.s32 $0x0;
	s9 =	simm.s32 $0x0;
	s5 =	sshll.u32 s3, $0x4  }
0x4: {  	s0 =	rddreg [dreg:$0x1];
	s7 =	ssub.s32 $0x2, s3;
	s5 =	sor.u32 s1, s5  }
0x5: {  	[smem:$0x7FF] =	sst s2;
	s8 =	sshrl.u32 s7, $0x1;
	s6 =	smul.u32 $0x1880, s5  }
0x6: {  	_ =	strace $0x8000004A;
	s3 =	sadd.s32 $0x33A00, s4;
	s7 =	ssub.s32 s7, s8  }
0x7: {  	s8 =	simm.s32 $0x1;
	s6 =	sadd.s32 s6, s4;
	s4 =	smul.u32 $0xC400, s5  }
0x8: {  	v0 =	vimm.f32 $0.0e+00;
	v1 =	vimm.f32 $1.000000000e+00;
	s5 =	sadd.s32 $0x95A00, s6;
	s6 =	smax.u32 s7, $0x1;
	s7 =	simm.s32 $0xC400  }
.LBB2_1:
0x9: {  	s10 =	simm.s32 $0x40;
	s11 =	simm.s32 $0x0  }
.LBB2_2:
0xa: {  	p0 =	sne.s32 s10, $0x30FC0;
	[tilespmem:s11+$0x0] =	vst v0;
	s11 =	smov.u32 s10;
	s10 =	sadd.s32 $0x40, s10  }
.Ltmp0:
0xb: {  	(pc) =	sbr.rel @p0 .LBB2_2-.Ltmp0, $2  }
0xc: {  	_ =	sdelay $0x2  }
0xd: {  	s11 =	sshra.s32 s11, $0x2  }
0xe: {  	[tilespmem:s11+$0x0] =	vst v0;
	s10 =	simm.s32 $0x0;
	s11 =	simm.s32 $0x0  }
.LBB2_4:
0xf: {  	s12 =	sshll.u32 s11, $0xA  }
0x10: {  	s12 =	sadd.s32 s4, s12  }
0x11: {  	s12 =	sshrl.u32 s12, $0x3  }
0x12: {  	s12 =	sadd.s32 s3, s12  }
0x13: {  	[tilespmem:s7], [sflag:$0x1] =	stream.linear.gather [hbm4b:s12+s10], $0x400, $0x38;
	[tilespmem:$0xC800] =	vst v63  }
0x14: {  	_ =	swait.ge [sflag:s8], $0x400  }
0x15: {  	[sflag:s8] =	ssyncset.done $0x0  }
0x16: {  	s13 =	simm.s32 $0x0;
	s12 =	simm.s32 $0x40;
	[sflag:s8] =	ssyncadd.s32 $0xFFFFFC00  }
.LBB2_5:
0x17: {  	p0 =	sne.s32 s12, $0xFC0;
	v2 =	vld [tilespmem:s13+$0xC400];
	_ =	sdelay $0x3  }
.Ltmp1:
0x18: {  	(pc) =	sbr.rel @p0 .LBB2_5-.Ltmp1, $2  }
0x19: {  	_ =	sdelay $0x2  }
0x1a: {  	s13 =	sshra.s32 s12, $0x2;
	s12 =	sadd.s32 $0x40, s12;
	[tilespmem:v2+s2+$0x0] =	vst.idx.add.f32.msk $0xffff, v1  }
0x1b: {  	v2 =	vld [tilespmem:s13+$0xC400];
	_ =	sdelay $0x1  }
0x1c: {  	s11 =	sadd.s32 $0x1, s11  }
0x1d: {  	p0 =	sne.s32 s11, $0x31  }
.Ltmp2:
0x1e: {  	_ = 	snop;
	(pc) =	sbr.rel @p0 .LBB2_4-.Ltmp2, $2  }
0x1f: {  	_ =	sdelay $0x2  }
0x20: {  	[tilespmem:v2+s2+$0x0] =	vst.idx.add.f32.msk $0xffff, v1  }
0x21: {  	s9 =	sadd.s32 $0x1, s9  }
0x22: {  	p0 =	sne.s32 s9, s6  }
.Ltmp3:
0x23: {  	_ = 	snop;
	(pc) =	sbr.rel @p0 .LBB2_1-.Ltmp3, $4  }
0x24: {  	[hbm4b:s5+s2] =	stream.linear.scatter [tilespmem:s2], [sflag:$0x1], $0xC400, $0x38;
	[tilespmem:$0xC800] =	vst v63  }
0x25: {  	_ =	swait.ge [sflag:s8], $0xC400  }
0x26: {  	[sflag:s8] =	ssyncset.done $0x0  }
0x27: {  	[sflag:s8] =	ssyncadd.s32 $0xFFFF3C00  }
0x28: {  	_ =	sfence.sel $0x180000  }
0x29: {  	[bflag:$0x0] =	sbarrier.arrive $0xFFFF  }
0x2a: {  	p0 =	sne.s32 s1, $0x0;
	_ =	strace $0x9000004A  }
0x2b: {  	s0 =	sadd.s32 @!p0 $0x100000, s0;
	[bflag:$0x2] =	sbarrier.arrive $0xFFFF  }
0x2c: {  	[sflag:s0] =	ssyncadd.tile.s32 @!p0 $0x1;
	_ =	shalt  }
.Lfunc_end2:
_tile_overlayer_lowered:
.L_overlay_start_2:
0x2d: {  	(tag) =	ssettag $0x2  }
0x2e: {  	s0 =	rddreg [dreg:$0x0];
	s2 =	stileid.u32  }
0x2f: {  	s1 =	rddreg [dreg:$0x1];
	p0 =	sne.s32 s2, $0x0  }
0x30: {  	s3 =	rddreg [dreg:$0x2];
	[bflag:$0x3] =	sbarrier.arrive $0xFFFF;
	s2 =	simm.s32 @!p0 $0x1C01  }
0x31: {  	[timem:s3], [sflag:s2] =	dma.local @!p0 [hbm:s0], s1  }
0x32: {  	s0 =	simm.s32 @!p0 $0x1  }
0x33: {  	_ =	swait.ge @!p0 [sflag:s0], s1  }
0x34: {  	s1 =	ssub.s32 @!p0 $0x0, s1;
	[sflag:s0] =	ssyncset.done @!p0 $0x0  }
0x35: {  	[sflag:s0] =	ssyncadd.s32 @!p0 s1  }
0x36: {  	[bflag:$0x3] =	sbarrier.arrive $0xFFFF  }
0x37: {  	_ =	shalt  }

</sc_bundles>
